<compile_context>
chip_gen: v7x
topology: tpu7x:2x2x1
jax: 0.10.2.dev20260603
libtpu: 0.0.44.dev20260713+nightly
codegen_flags: <defaults>
</compile_context>

<pallas_src>
import functools

import jax
import jax.numpy as jnp
from jax import lax
from jax.experimental import pallas as pl
from jax.experimental.pallas import tpu as pltpu
from jax.experimental.pallas import tpu_sc as plsc

T_STEPS = 16
TAU_LIF = 2.0
V_TH = 1.0
BN_EPS = 1e-5


def _bf16_rtne(v):
    u = lax.bitcast_convert_type(v, jnp.int32)
    r = u + ((u >> 16) & 1) + 0x7FFF
    r = r & jnp.int32(-65536)
    return lax.bitcast_convert_type(r, jnp.float32).astype(jnp.bfloat16)


def _memout_body(coef_s, alpha_s, x_ref, xm_ref):
    a = alpha_s[0, 0]
    x0 = x_ref[0]
    s1 = x0 * coef_s[0, 0]
    s2 = x0
    for t in range(1, T_STEPS):
        xt = x_ref[t]
        s1 = s1 + xt * coef_s[0, t]
        s2 = s2 + xt
    xm_ref[...] = (1.0 - a) * s1 + (a * s2) * 0.0625


def _head_body(q_ref, w_ref, cp_ref, out_ref):
    c = w_ref.shape[1]
    w = w_ref[...]
    wb = _bf16_rtne(w)
    for i in range(q_ref.shape[0]):
        q = q_ref[i][:, :c]
        h = lax.dot_general(wb, _bf16_rtne(q),
                            (((1,), (1,)), ((), ())),
                            preferred_element_type=jnp.float32)
        h = h + cp_ref[:, 0:1]
        h = (h - cp_ref[:, 3:4]) / jnp.sqrt(cp_ref[:, 4:5] + BN_EPS)
        h = h * cp_ref[:, 1:2] + cp_ref[:, 2:3]
        v = jnp.zeros_like(h)
        for t in range(T_STEPS):
            v = v + (h - v) / TAU_LIF
            s = (v - V_TH >= 0.0).astype(jnp.float32)
            out_ref[t, i] = s
            v = (1.0 - s) * v


def _sc_gather(embeddings, indices):
    n = indices.shape[0]
    k_rows, d = embeddings.shape
    d_pad = 128
    emb_pad = jnp.pad(embeddings, ((0, 0), (0, d_pad - d)))
    info = plsc.get_sparse_core_info()
    nc, ns = info.num_cores, info.num_subcores
    nw = nc * ns
    b_per_w = n // nw
    mesh = plsc.VectorSubcoreMesh(core_axis_name="c", subcore_axis_name="s")

    @functools.partial(
        pl.kernel,
        out_type=jax.ShapeDtypeStruct((n, d_pad), jnp.float32),
        mesh=mesh,
        scratch_types=[
            pltpu.VMEM((b_per_w,), jnp.int32),
            pltpu.VMEM((b_per_w, d_pad), jnp.float32),
            pltpu.SemaphoreType.DMA,
        ],
    )
    def gather_kernel(emb_hbm, idx_hbm, out_hbm, idx_v, rows_v, sem):
        wid = lax.axis_index("s") * nc + lax.axis_index("c")
        base = wid * b_per_w
        pltpu.sync_copy(idx_hbm.at[pl.ds(base, b_per_w)], idx_v)
        pltpu.async_copy(emb_hbm.at[idx_v], rows_v, sem).wait()
        pltpu.sync_copy(rows_v, out_hbm.at[pl.ds(base, b_per_w)])

    return gather_kernel(emb_pad, indices)


def kernel(x, embeddings, alpha, conv_w, conv_b, bn_gamma, bn_beta,
           bn_mean, bn_var):
    t_steps, b, c, h, w = x.shape
    hw = h * w
    k_rows, d = embeddings.shape
    x4 = x.reshape(t_steps, b, c, hw)
    coef = jnp.power(0.8, jnp.arange(t_steps - 1, -1, -1,
                                     dtype=jnp.float32)).reshape(1, t_steps)
    alpha2 = jnp.asarray(alpha, jnp.float32).reshape(1, 1)

    bpair = 2
    xm3 = pl.pallas_call(
        _memout_body,
        grid=(b // bpair,),
        in_specs=[
            pl.BlockSpec(memory_space=pltpu.SMEM),
            pl.BlockSpec(memory_space=pltpu.SMEM),
            pl.BlockSpec((t_steps, bpair, c, hw), lambda bb: (0, bb, 0, 0)),
        ],
        out_specs=pl.BlockSpec((bpair, c, hw), lambda bb: (bb, 0, 0)),
        out_shape=jax.ShapeDtypeStruct((b, c, hw), jnp.float32),
    )(coef, alpha2, x4)

    flat_x = jnp.transpose(xm3.reshape(b, c, h, w), (0, 2, 3, 1)).reshape(-1, d)
    distances = (jnp.sum(flat_x ** 2, axis=1, keepdims=True)
                 + jnp.sum(embeddings ** 2, axis=1)
                 - 2.0 * jnp.matmul(flat_x, embeddings.T))
    encoding_indices = jnp.argmin(distances, axis=1)

    quantized = _sc_gather(embeddings, encoding_indices)
    d_pad = quantized.shape[1]

    cp = jnp.stack([conv_b, bn_gamma, bn_beta, bn_mean, bn_var],
                   axis=1).astype(jnp.float32)
    spikes4 = pl.pallas_call(
        _head_body,
        grid=(b // bpair,),
        in_specs=[
            pl.BlockSpec((bpair, hw, d_pad), lambda bb: (bb, 0, 0)),
            pl.BlockSpec((c, c), lambda bb: (0, 0)),
            pl.BlockSpec(cp.shape, lambda bb: (0, 0)),
        ],
        out_specs=pl.BlockSpec((t_steps, bpair, c, hw), lambda bb: (0, bb, 0, 0)),
        out_shape=jax.ShapeDtypeStruct((t_steps, b, c, hw), jnp.float32),
    )(quantized.reshape(b, hw, d_pad), conv_w[:, :, 0, 0], cp)

    return spikes4.reshape(t_steps, b, c, h, w), encoding_indices

# --- scband reference (transcript-rebuilt; emitter-appended) ---
"""Pipeline reference for scband-vector-quantizer-2181843386743 (READ-ONLY COPY).

The authoritative reference and input builder live on the scoring server;
editing this copy changes nothing except your own understanding.
"""

import jax, jax.numpy as jnp
import numpy as np

T_STEPS = 16
TAU_LIF = 2.0
V_TH = 1.0
V_RESET = 0.0
ATAN_ALPHA = 2.0
BN_EPS = 1e-5

@jax.custom_vjp
def atan_spike(x):
    return (x >= 0.0).astype(x.dtype)

def _atan_fwd(x):
    return atan_spike(x), x

def _atan_bwd(x, g):
    return (g * ATAN_ALPHA / 2.0 / (1.0 + (jnp.pi / 2.0 * ATAN_ALPHA * x) ** 2),)

atan_spike.defvjp(_atan_fwd, _atan_bwd)

def membrane_output(x):
    # x: [T, B, C, H, W]; weighted sum over time with coef 0.8**(T-1-t)
    T = x.shape[0]
    coef = jnp.power(0.8, jnp.arange(T - 1, -1, -1, dtype=x.dtype)).reshape(T, 1, 1, 1, 1)
    return jnp.sum(x * coef, axis=0)

def lif_multistep(x_seq):
    # spikingjelly LIFNode defaults: tau=2, v_th=1, v_reset=0, hard reset, decay_input=True
    def step(v, xt):
        v = v + (xt - (v - V_RESET)) / TAU_LIF
        s = atan_spike(v - V_TH)
        v = (1.0 - s) * v + s * V_RESET
        return v, s
    v0 = jnp.zeros_like(x_seq[0])
    _, spikes = jax.lax.scan(step, v0, x_seq)
    return spikes

def setup_inputs(seed: int = 0) -> dict:
    key = jax.random.key(seed)
    ks = jax.random.split(key, 6)
    T, B, C, H, W = 16, 8, 16, 32, 32
    K, D = 8192, 16
    x = jax.random.normal(ks[0], (T, B, C, H, W), dtype=jnp.float32)
    embeddings = jax.random.normal(ks[1], (K, D), dtype=jnp.float32)
    alpha = jnp.asarray(0.5, dtype=jnp.float32)
    conv_w = jax.random.normal(ks[2], (16, 16, 1, 1), dtype=jnp.float32) * 0.25
    conv_b = jax.random.normal(ks[3], (16,), dtype=jnp.float32) * 0.01
    bn_gamma = jnp.ones((16,), dtype=jnp.float32)
    bn_beta = jnp.zeros((16,), dtype=jnp.float32)
    bn_mean = jnp.zeros((16,), dtype=jnp.float32)
    bn_var = jnp.ones((16,), dtype=jnp.float32)
    return {"x": x, "embeddings": embeddings, "alpha": alpha, "conv_w": conv_w,
            "conv_b": conv_b, "bn_gamma": bn_gamma, "bn_beta": bn_beta,
            "bn_mean": bn_mean, "bn_var": bn_var}

def reference(x, embeddings, alpha, conv_w, conv_b, bn_gamma, bn_beta, bn_mean, bn_var):
    # eval-mode forward of VectorQuantizer
    x_memout = (1.0 - alpha) * membrane_output(x) + alpha * jnp.sum(x, axis=0) / T_STEPS
    x_memout = jnp.transpose(x_memout, (0, 2, 3, 1))  # B,H,W,C
    D = embeddings.shape[1]
    flat_x = x_memout.reshape(-1, D)
    distances = (jnp.sum(flat_x ** 2, axis=1, keepdims=True)
                 + jnp.sum(embeddings ** 2, axis=1)
                 - 2.0 * jnp.matmul(flat_x, embeddings.T))
    encoding_indices = jnp.argmin(distances, axis=1)
    quantized = jnp.take(embeddings, encoding_indices, axis=0).reshape(x_memout.shape)
    quantized = jnp.transpose(quantized, (0, 3, 1, 2))  # B,C,H,W
    quantized = jnp.broadcast_to(quantized[None], (T_STEPS,) + quantized.shape)
    # poisson head: 1x1 conv -> BatchNorm2d (eval stats) -> LIF over time
    w = conv_w[:, :, 0, 0]  # [out, in]
    h = jnp.einsum('tbchw,oc->tbohw', quantized, w) + conv_b.reshape(1, 1, -1, 1, 1)
    h = (h - bn_mean.reshape(1, 1, -1, 1, 1)) / jnp.sqrt(bn_var.reshape(1, 1, -1, 1, 1) + BN_EPS)
    h = h * bn_gamma.reshape(1, 1, -1, 1, 1) + bn_beta.reshape(1, 1, -1, 1, 1)
    spikes = lif_multistep(h)
    return spikes, encoding_indices

if __name__ == "__main__":
    import jax
    _d = setup_inputs()
    print(jax.jit(kernel)(*tuple(_d.values())))

</pallas_src>

<mosaic_0001>
#map = affine_map<(d0, d1) -> (0, 0)>
#map1 = affine_map<(d0, d1) -> (0)>
module attributes {stable_mosaic.version = 14 : i64} {
  func.func @gather_kernel(%arg0: i32, %arg1: i32, %arg2: memref<8192x128xf32, #tpu.memory_space<hbm>>, %arg3: memref<8192xi32, #tpu.memory_space<hbm>>, %arg4: memref<8192x128xf32, #tpu.memory_space<hbm>>, %arg5: memref<256xi32, #tpu.memory_space<vmem>>, %arg6: memref<256x128xf32, #tpu.memory_space<vmem>>, %arg7: memref<!tpu.dma_semaphore, #tpu.memory_space<semaphore_mem>>) attributes {dimension_semantics = [#tpu.dimension_semantics<core_parallel>, #tpu.dimension_semantics<subcore_parallel>], iteration_bounds = array<i64: 2, 16>, scalar_prefetch = 0 : i64, scratch_operands = 3 : i64, tpu.core_type = #tpu.core_type<sc_vector_subcore>, window_params = [{transform_indices = #map}, {transform_indices = #map1}, {transform_indices = #map}]} {
    %mul3A = arith.constant 2 : i32
    %mul3A_0 = arith.muli %arg1, %mul3A : i32
    %add3A = arith.addi %mul3A_0, %arg0 : i32
    %mul3A_1 = arith.constant 256 : i32
    %mul3A_2 = arith.muli %add3A, %mul3A_1 : i32
    "tpu.region"() ({
      %run_scoped3A = tpu.sem_alloc : memref<!tpu.dma_semaphore, #tpu.memory_space<semaphore_mem>>
      %dma_start3A_7 = tpu.memref_slice %arg3[%mul3A_2] : memref<8192xi32, #tpu.memory_space<hbm>> -> memref<256xi32, #tpu.memory_space<hbm>>
      %dma_start3A_8 = tpu.memref_slice %arg3[%mul3A_2] : memref<8192xi32, #tpu.memory_space<hbm>> -> memref<256xi32, #tpu.memory_space<hbm>>
      tpu.enqueue_dma source(%dma_start3A_8 : memref<256xi32, #tpu.memory_space<hbm>>) target(%arg5 : memref<256xi32, #tpu.memory_space<vmem>>) target_semaphore(%run_scoped3A : memref<!tpu.dma_semaphore, #tpu.memory_space<semaphore_mem>>)
      %dma_wait3A_9 = tpu.memref_slice %arg3[%mul3A_2] : memref<8192xi32, #tpu.memory_space<hbm>> -> memref<256xi32, #tpu.memory_space<hbm>>
      %dma_wait3A_10 = tpu.memref_slice %arg3[%mul3A_2] : memref<8192xi32, #tpu.memory_space<hbm>> -> memref<256xi32, #tpu.memory_space<hbm>>
      tpu.wait_dma2 semaphore(%run_scoped3A : memref<!tpu.dma_semaphore, #tpu.memory_space<semaphore_mem>>) src(%dma_wait3A_10 : memref<256xi32, #tpu.memory_space<hbm>>) dst(%arg5 : memref<256xi32, #tpu.memory_space<vmem>>)
      tpu.yield
    }) : () -> ()
    %dma_start3A = arith.constant 0 : i32
    %dma_start3A_3 = arith.constant 0 : i32
    %dma_start3A_4 = tpu.memref_slice %arg2[%dma_start3A, %dma_start3A_3] : memref<8192x128xf32, #tpu.memory_space<hbm>> -> memref<8192x128xf32, #tpu.memory_space<hbm>>
    tpu.enqueue_indirect_dma source(%dma_start3A_4 : memref<8192x128xf32, #tpu.memory_space<hbm>>) target(%arg6 : memref<256x128xf32, #tpu.memory_space<vmem>>) offsets(%arg5 : memref<256xi32, #tpu.memory_space<vmem>>) semaphore(%arg7 : memref<!tpu.dma_semaphore, #tpu.memory_space<semaphore_mem>>)
    %dma_wait3A = arith.constant 0 : i32
    %dma_wait3A_5 = arith.constant 0 : i32
    %dma_wait3A_6 = tpu.memref_slice %arg2[%dma_wait3A, %dma_wait3A_5] : memref<8192x128xf32, #tpu.memory_space<hbm>> -> memref<8192x128xf32, #tpu.memory_space<hbm>>
    tpu.wait_indirect_dma semaphore(%arg7 : memref<!tpu.dma_semaphore, #tpu.memory_space<semaphore_mem>>) src(%dma_wait3A_6 : memref<8192x128xf32, #tpu.memory_space<hbm>>) dst(%arg6 : memref<256x128xf32, #tpu.memory_space<vmem>>)
    "tpu.region"() ({
      %run_scoped3A = tpu.sem_alloc : memref<!tpu.dma_semaphore, #tpu.memory_space<semaphore_mem>>
      %dma_start3A_7 = arith.constant 0 : i32
      %dma_start3A_8 = tpu.memref_slice %arg4[%mul3A_2, %dma_start3A_7] : memref<8192x128xf32, #tpu.memory_space<hbm>> -> memref<256x128xf32, #tpu.memory_space<hbm>>
      %dma_start3A_9 = arith.constant 0 : i32
      %dma_start3A_10 = tpu.memref_slice %arg4[%mul3A_2, %dma_start3A_9] : memref<8192x128xf32, #tpu.memory_space<hbm>> -> memref<256x128xf32, #tpu.memory_space<hbm>>
      tpu.enqueue_dma source(%arg6 : memref<256x128xf32, #tpu.memory_space<vmem>>) target(%dma_start3A_10 : memref<256x128xf32, #tpu.memory_space<hbm>>) target_semaphore(%run_scoped3A : memref<!tpu.dma_semaphore, #tpu.memory_space<semaphore_mem>>)
      %dma_wait3A_11 = arith.constant 0 : i32
      %dma_wait3A_12 = tpu.memref_slice %arg4[%mul3A_2, %dma_wait3A_11] : memref<8192x128xf32, #tpu.memory_space<hbm>> -> memref<256x128xf32, #tpu.memory_space<hbm>>
      %dma_wait3A_13 = arith.constant 0 : i32
      %dma_wait3A_14 = tpu.memref_slice %arg4[%mul3A_2, %dma_wait3A_13] : memref<8192x128xf32, #tpu.memory_space<hbm>> -> memref<256x128xf32, #tpu.memory_space<hbm>>
      tpu.wait_dma2 semaphore(%run_scoped3A : memref<!tpu.dma_semaphore, #tpu.memory_space<semaphore_mem>>) src(%arg6 : memref<256x128xf32, #tpu.memory_space<vmem>>) dst(%dma_wait3A_14 : memref<256x128xf32, #tpu.memory_space<hbm>>)
      tpu.yield
    }) : () -> ()
    return
  }
}

module attributes {stable_mosaic.version = 14 : i64} {
  func.func @_memout_body(%arg0: i32, %arg1: memref<1x16xf32, #tpu.memory_space<smem>>, %arg2: memref<1x1xf32, #tpu.memory_space<smem>>, %arg3: memref<16x2x16x1024xf32, #tpu.memory_space<vmem>>, %arg4: memref<2x16x1024xf32, #tpu.memory_space<vmem>>) attributes {dimension_semantics = [#tpu.dimension_semantics<arbitrary>], iteration_bounds = array<i64: 4>, scalar_prefetch = 0 : i64, scratch_operands = 0 : i64, tpu.core_type = #tpu.core_type<tc>, window_params = [{transform_indices = @transform_0, window_bounds = array<i64: 1, 16>}, {transform_indices = @transform_1, window_bounds = array<i64: 1, 1>}, {transform_indices = @transform_2, window_bounds = array<i64: 16, 2, 16, 1024>}, {transform_indices = @transform_3, window_bounds = array<i64: 2, 16, 1024>}]} {
    %get3A = arith.constant 0 : index
    %get3A_0 = arith.constant 0 : index
    %get3A_1 = memref.load %arg2[%get3A, %get3A_0] : memref<1x1xf32, #tpu.memory_space<smem>>
    %get3A_2 = arith.constant 0 : index
    %get3A_3 = arith.constant 0 : index
    %get3A_4 = arith.constant 0 : index
    %get3A_5 = arith.constant 0 : index
    %get3A_6 = vector.load %arg3[%get3A_2, %get3A_3, %get3A_4, %get3A_5] : memref<16x2x16x1024xf32, #tpu.memory_space<vmem>>, vector<1x2x16x1024xf32>
    %get3A_7 = vector.shape_cast %get3A_6 : vector<1x2x16x1024xf32> to vector<2x16x1024xf32>
    %get3A_8 = arith.constant 0 : index
    %get3A_9 = arith.constant 0 : index
    %get3A_10 = memref.load %arg1[%get3A_8, %get3A_9] : memref<1x16xf32, #tpu.memory_space<smem>>
    %mul3A = vector.broadcast %get3A_10 : f32 to vector<2x16x1024xf32>
    %mul3A_11 = arith.mulf %get3A_7, %mul3A : vector<2x16x1024xf32>
    %get3A_12 = arith.constant 1 : index
    %get3A_13 = arith.constant 0 : index
    %get3A_14 = arith.constant 0 : index
    %get3A_15 = arith.constant 0 : index
    %get3A_16 = vector.load %arg3[%get3A_12, %get3A_13, %get3A_14, %get3A_15] : memref<16x2x16x1024xf32, #tpu.memory_space<vmem>>, vector<1x2x16x1024xf32>
    %get3A_17 = vector.shape_cast %get3A_16 : vector<1x2x16x1024xf32> to vector<2x16x1024xf32>
    %get3A_18 = arith.constant 0 : index
    %get3A_19 = arith.constant 1 : index
    %get3A_20 = memref.load %arg1[%get3A_18, %get3A_19] : memref<1x16xf32, #tpu.memory_space<smem>>
    %mul3A_21 = vector.broadcast %get3A_20 : f32 to vector<2x16x1024xf32>
    %mul3A_22 = arith.mulf %get3A_17, %mul3A_21 : vector<2x16x1024xf32>
    %add3A = arith.addf %mul3A_11, %mul3A_22 : vector<2x16x1024xf32>
    %add3A_23 = arith.addf %get3A_7, %get3A_17 : vector<2x16x1024xf32>
    %get3A_24 = arith.constant 2 : index
    %get3A_25 = arith.constant 0 : index
    %get3A_26 = arith.constant 0 : index
    %get3A_27 = arith.constant 0 : index
    %get3A_28 = vector.load %arg3[%get3A_24, %get3A_25, %get3A_26, %get3A_27] : memref<16x2x16x1024xf32, #tpu.memory_space<vmem>>, vector<1x2x16x1024xf32>
    %get3A_29 = vector.shape_cast %get3A_28 : vector<1x2x16x1024xf32> to vector<2x16x1024xf32>
    %get3A_30 = arith.constant 0 : index
    %get3A_31 = arith.constant 2 : index
    %get3A_32 = memref.load %arg1[%get3A_30, %get3A_31] : memref<1x16xf32, #tpu.memory_space<smem>>
    %mul3A_33 = vector.broadcast %get3A_32 : f32 to vector<2x16x1024xf32>
    %mul3A_34 = arith.mulf %get3A_29, %mul3A_33 : vector<2x16x1024xf32>
    %add3A_35 = arith.addf %add3A, %mul3A_34 : vector<2x16x1024xf32>
    %add3A_36 = arith.addf %add3A_23, %get3A_29 : vector<2x16x1024xf32>
    %get3A_37 = arith.constant 3 : index
    %get3A_38 = arith.constant 0 : index
    %get3A_39 = arith.constant 0 : index
    %get3A_40 = arith.constant 0 : index
    %get3A_41 = vector.load %arg3[%get3A_37, %get3A_38, %get3A_39, %get3A_40] : memref<16x2x16x1024xf32, #tpu.memory_space<vmem>>, vector<1x2x16x1024xf32>
    %get3A_42 = vector.shape_cast %get3A_41 : vector<1x2x16x1024xf32> to vector<2x16x1024xf32>
    %get3A_43 = arith.constant 0 : index
    %get3A_44 = arith.constant 3 : index
    %get3A_45 = memref.load %arg1[%get3A_43, %get3A_44] : memref<1x16xf32, #tpu.memory_space<smem>>
    %mul3A_46 = vector.broadcast %get3A_45 : f32 to vector<2x16x1024xf32>
    %mul3A_47 = arith.mulf %get3A_42, %mul3A_46 : vector<2x16x1024xf32>
    %add3A_48 = arith.addf %add3A_35, %mul3A_47 : vector<2x16x1024xf32>
    %add3A_49 = arith.addf %add3A_36, %get3A_42 : vector<2x16x1024xf32>
    %get3A_50 = arith.constant 4 : index
    %get3A_51 = arith.constant 0 : index
    %get3A_52 = arith.constant 0 : index
    %get3A_53 = arith.constant 0 : index
    %get3A_54 = vector.load %arg3[%get3A_50, %get3A_51, %get3A_52, %get3A_53] : memref<16x2x16x1024xf32, #tpu.memory_space<vmem>>, vector<1x2x16x1024xf32>
    %get3A_55 = vector.shape_cast %get3A_54 : vector<1x2x16x1024xf32> to vector<2x16x1024xf32>
    %get3A_56 = arith.constant 0 : index
    %get3A_57 = arith.constant 4 : index
    %get3A_58 = memref.load %arg1[%get3A_56, %get3A_57] : memref<1x16xf32, #tpu.memory_space<smem>>
    %mul3A_59 = vector.broadcast %get3A_58 : f32 to vector<2x16x1024xf32>
    %mul3A_60 = arith.mulf %get3A_55, %mul3A_59 : vector<2x16x1024xf32>
    %add3A_61 = arith.addf %add3A_48, %mul3A_60 : vector<2x16x1024xf32>
    %add3A_62 = arith.addf %add3A_49, %get3A_55 : vector<2x16x1024xf32>
    %get3A_63 = arith.constant 5 : index
    %get3A_64 = arith.constant 0 : index
    %get3A_65 = arith.constant 0 : index
    %get3A_66 = arith.constant 0 : index
    %get3A_67 = vector.load %arg3[%get3A_63, %get3A_64, %get3A_65, %get3A_66] : memref<16x2x16x1024xf32, #tpu.memory_space<vmem>>, vector<1x2x16x1024xf32>
    %get3A_68 = vector.shape_cast %get3A_67 : vector<1x2x16x1024xf32> to vector<2x16x1024xf32>
    %get3A_69 = arith.constant 0 : index
    %get3A_70 = arith.constant 5 : index
    %get3A_71 = memref.load %arg1[%get3A_69, %get3A_70] : memref<1x16xf32, #tpu.memory_space<smem>>
    %mul3A_72 = vector.broadcast %get3A_71 : f32 to vector<2x16x1024xf32>
    %mul3A_73 = arith.mulf %get3A_68, %mul3A_72 : vector<2x16x1024xf32>
    %add3A_74 = arith.addf %add3A_61, %mul3A_73 : vector<2x16x1024xf32>
    %add3A_75 = arith.addf %add3A_62, %get3A_68 : vector<2x16x1024xf32>
    %get3A_76 = arith.constant 6 : index
    %get3A_77 = arith.constant 0 : index
    %get3A_78 = arith.constant 0 : index
    %get3A_79 = arith.constant 0 : index
    %get3A_80 = vector.load %arg3[%get3A_76, %get3A_77, %get3A_78, %get3A_79] : memref<16x2x16x1024xf32, #tpu.memory_space<vmem>>, vector<1x2x16x1024xf32>
    %get3A_81 = vector.shape_cast %get3A_80 : vector<1x2x16x1024xf32> to vector<2x16x1024xf32>
    %get3A_82 = arith.constant 0 : index
    %get3A_83 = arith.constant 6 : index
    %get3A_84 = memref.load %arg1[%get3A_82, %get3A_83] : memref<1x16xf32, #tpu.memory_space<smem>>
    %mul3A_85 = vector.broadcast %get3A_84 : f32 to vector<2x16x1024xf32>
    %mul3A_86 = arith.mulf %get3A_81, %mul3A_85 : vector<2x16x1024xf32>
    %add3A_87 = arith.addf %add3A_74, %mul3A_86 : vector<2x16x1024xf32>
    %add3A_88 = arith.addf %add3A_75, %get3A_81 : vector<2x16x1024xf32>
    %get3A_89 = arith.constant 7 : index
    %get3A_90 = arith.constant 0 : index
    %get3A_91 = arith.constant 0 : index
    %get3A_92 = arith.constant 0 : index
    %get3A_93 = vector.load %arg3[%get3A_89, %get3A_90, %get3A_91, %get3A_92] : memref<16x2x16x1024xf32, #tpu.memory_space<vmem>>, vector<1x2x16x1024xf32>
    %get3A_94 = vector.shape_cast %get3A_93 : vector<1x2x16x1024xf32> to vector<2x16x1024xf32>
    %get3A_95 = arith.constant 0 : index
    %get3A_96 = arith.constant 7 : index
    %get3A_97 = memref.load %arg1[%get3A_95, %get3A_96] : memref<1x16xf32, #tpu.memory_space<smem>>
    %mul3A_98 = vector.broadcast %get3A_97 : f32 to vector<2x16x1024xf32>
    %mul3A_99 = arith.mulf %get3A_94, %mul3A_98 : vector<2x16x1024xf32>
    %add3A_100 = arith.addf %add3A_87, %mul3A_99 : vector<2x16x1024xf32>
    %add3A_101 = arith.addf %add3A_88, %get3A_94 : vector<2x16x1024xf32>
    %get3A_102 = arith.constant 8 : index
    %get3A_103 = arith.constant 0 : index
    %get3A_104 = arith.constant 0 : index
    %get3A_105 = arith.constant 0 : index
    %get3A_106 = vector.load %arg3[%get3A_102, %get3A_103, %get3A_104, %get3A_105] : memref<16x2x16x1024xf32, #tpu.memory_space<vmem>>, vector<1x2x16x1024xf32>
    %get3A_107 = vector.shape_cast %get3A_106 : vector<1x2x16x1024xf32> to vector<2x16x1024xf32>
    %get3A_108 = arith.constant 0 : index
    %get3A_109 = arith.constant 8 : index
    %get3A_110 = memref.load %arg1[%get3A_108, %get3A_109] : memref<1x16xf32, #tpu.memory_space<smem>>
    %mul3A_111 = vector.broadcast %get3A_110 : f32 to vector<2x16x1024xf32>
    %mul3A_112 = arith.mulf %get3A_107, %mul3A_111 : vector<2x16x1024xf32>
    %add3A_113 = arith.addf %add3A_100, %mul3A_112 : vector<2x16x1024xf32>
    %add3A_114 = arith.addf %add3A_101, %get3A_107 : vector<2x16x1024xf32>
    %get3A_115 = arith.constant 9 : index
    %get3A_116 = arith.constant 0 : index
    %get3A_117 = arith.constant 0 : index
    %get3A_118 = arith.constant 0 : index
    %get3A_119 = vector.load %arg3[%get3A_115, %get3A_116, %get3A_117, %get3A_118] : memref<16x2x16x1024xf32, #tpu.memory_space<vmem>>, vector<1x2x16x1024xf32>
    %get3A_120 = vector.shape_cast %get3A_119 : vector<1x2x16x1024xf32> to vector<2x16x1024xf32>
    %get3A_121 = arith.constant 0 : index
    %get3A_122 = arith.constant 9 : index
    %get3A_123 = memref.load %arg1[%get3A_121, %get3A_122] : memref<1x16xf32, #tpu.memory_space<smem>>
    %mul3A_124 = vector.broadcast %get3A_123 : f32 to vector<2x16x1024xf32>
    %mul3A_125 = arith.mulf %get3A_120, %mul3A_124 : vector<2x16x1024xf32>
    %add3A_126 = arith.addf %add3A_113, %mul3A_125 : vector<2x16x1024xf32>
    %add3A_127 = arith.addf %add3A_114, %get3A_120 : vector<2x16x1024xf32>
    %get3A_128 = arith.constant 10 : index
    %get3A_129 = arith.constant 0 : index
    %get3A_130 = arith.constant 0 : index
    %get3A_131 = arith.constant 0 : index
    %get3A_132 = vector.load %arg3[%get3A_128, %get3A_129, %get3A_130, %get3A_131] : memref<16x2x16x1024xf32, #tpu.memory_space<vmem>>, vector<1x2x16x1024xf32>
    %get3A_133 = vector.shape_cast %get3A_132 : vector<1x2x16x1024xf32> to vector<2x16x1024xf32>
    %get3A_134 = arith.constant 0 : index
    %get3A_135 = arith.constant 10 : index
    %get3A_136 = memref.load %arg1[%get3A_134, %get3A_135] : memref<1x16xf32, #tpu.memory_space<smem>>
    %mul3A_137 = vector.broadcast %get3A_136 : f32 to vector<2x16x1024xf32>
    %mul3A_138 = arith.mulf %get3A_133, %mul3A_137 : vector<2x16x1024xf32>
    %add3A_139 = arith.addf %add3A_126, %mul3A_138 : vector<2x16x1024xf32>
    %add3A_140 = arith.addf %add3A_127, %get3A_133 : vector<2x16x1024xf32>
    %get3A_141 = arith.constant 11 : index
    %get3A_142 = arith.constant 0 : index
    %get3A_143 = arith.constant 0 : index
    %get3A_144 = arith.constant 0 : index
    %get3A_145 = vector.load %arg3[%get3A_141, %get3A_142, %get3A_143, %get3A_144] : memref<16x2x16x1024xf32, #tpu.memory_space<vmem>>, vector<1x2x16x1024xf32>
    %get3A_146 = vector.shape_cast %get3A_145 : vector<1x2x16x1024xf32> to vector<2x16x1024xf32>
    %get3A_147 = arith.constant 0 : index
    %get3A_148 = arith.constant 11 : index
    %get3A_149 = memref.load %arg1[%get3A_147, %get3A_148] : memref<1x16xf32, #tpu.memory_space<smem>>
    %mul3A_150 = vector.broadcast %get3A_149 : f32 to vector<2x16x1024xf32>
    %mul3A_151 = arith.mulf %get3A_146, %mul3A_150 : vector<2x16x1024xf32>
    %add3A_152 = arith.addf %add3A_139, %mul3A_151 : vector<2x16x1024xf32>
    %add3A_153 = arith.addf %add3A_140, %get3A_146 : vector<2x16x1024xf32>
    %get3A_154 = arith.constant 12 : index
    %get3A_155 = arith.constant 0 : index
    %get3A_156 = arith.constant 0 : index
    %get3A_157 = arith.constant 0 : index
    %get3A_158 = vector.load %arg3[%get3A_154, %get3A_155, %get3A_156, %get3A_157] : memref<16x2x16x1024xf32, #tpu.memory_space<vmem>>, vector<1x2x16x1024xf32>
    %get3A_159 = vector.shape_cast %get3A_158 : vector<1x2x16x1024xf32> to vector<2x16x1024xf32>
    %get3A_160 = arith.constant 0 : index
    %get3A_161 = arith.constant 12 : index
    %get3A_162 = memref.load %arg1[%get3A_160, %get3A_161] : memref<1x16xf32, #tpu.memory_space<smem>>
    %mul3A_163 = vector.broadcast %get3A_162 : f32 to vector<2x16x1024xf32>
    %mul3A_164 = arith.mulf %get3A_159, %mul3A_163 : vector<2x16x1024xf32>
    %add3A_165 = arith.addf %add3A_152, %mul3A_164 : vector<2x16x1024xf32>
    %add3A_166 = arith.addf %add3A_153, %get3A_159 : vector<2x16x1024xf32>
    %get3A_167 = arith.constant 13 : index
    %get3A_168 = arith.constant 0 : index
    %get3A_169 = arith.constant 0 : index
    %get3A_170 = arith.constant 0 : index
    %get3A_171 = vector.load %arg3[%get3A_167, %get3A_168, %get3A_169, %get3A_170] : memref<16x2x16x1024xf32, #tpu.memory_space<vmem>>, vector<1x2x16x1024xf32>
    %get3A_172 = vector.shape_cast %get3A_171 : vector<1x2x16x1024xf32> to vector<2x16x1024xf32>
    %get3A_173 = arith.constant 0 : index
    %get3A_174 = arith.constant 13 : index
    %get3A_175 = memref.load %arg1[%get3A_173, %get3A_174] : memref<1x16xf32, #tpu.memory_space<smem>>
    %mul3A_176 = vector.broadcast %get3A_175 : f32 to vector<2x16x1024xf32>
    %mul3A_177 = arith.mulf %get3A_172, %mul3A_176 : vector<2x16x1024xf32>
    %add3A_178 = arith.addf %add3A_165, %mul3A_177 : vector<2x16x1024xf32>
    %add3A_179 = arith.addf %add3A_166, %get3A_172 : vector<2x16x1024xf32>
    %get3A_180 = arith.constant 14 : index
    %get3A_181 = arith.constant 0 : index
    %get3A_182 = arith.constant 0 : index
    %get3A_183 = arith.constant 0 : index
    %get3A_184 = vector.load %arg3[%get3A_180, %get3A_181, %get3A_182, %get3A_183] : memref<16x2x16x1024xf32, #tpu.memory_space<vmem>>, vector<1x2x16x1024xf32>
    %get3A_185 = vector.shape_cast %get3A_184 : vector<1x2x16x1024xf32> to vector<2x16x1024xf32>
    %get3A_186 = arith.constant 0 : index
    %get3A_187 = arith.constant 14 : index
    %get3A_188 = memref.load %arg1[%get3A_186, %get3A_187] : memref<1x16xf32, #tpu.memory_space<smem>>
    %mul3A_189 = vector.broadcast %get3A_188 : f32 to vector<2x16x1024xf32>
    %mul3A_190 = arith.mulf %get3A_185, %mul3A_189 : vector<2x16x1024xf32>
    %add3A_191 = arith.addf %add3A_178, %mul3A_190 : vector<2x16x1024xf32>
    %add3A_192 = arith.addf %add3A_179, %get3A_185 : vector<2x16x1024xf32>
    %get3A_193 = arith.constant 15 : index
    %get3A_194 = arith.constant 0 : index
    %get3A_195 = arith.constant 0 : index
    %get3A_196 = arith.constant 0 : index
    %get3A_197 = vector.load %arg3[%get3A_193, %get3A_194, %get3A_195, %get3A_196] : memref<16x2x16x1024xf32, #tpu.memory_space<vmem>>, vector<1x2x16x1024xf32>
    %get3A_198 = vector.shape_cast %get3A_197 : vector<1x2x16x1024xf32> to vector<2x16x1024xf32>
    %get3A_199 = arith.constant 0 : index
    %get3A_200 = arith.constant 15 : index
    %get3A_201 = memref.load %arg1[%get3A_199, %get3A_200] : memref<1x16xf32, #tpu.memory_space<smem>>
    %mul3A_202 = vector.broadcast %get3A_201 : f32 to vector<2x16x1024xf32>
    %mul3A_203 = arith.mulf %get3A_198, %mul3A_202 : vector<2x16x1024xf32>
    %add3A_204 = arith.addf %add3A_191, %mul3A_203 : vector<2x16x1024xf32>
    %add3A_205 = arith.addf %add3A_192, %get3A_198 : vector<2x16x1024xf32>
    %sub3A = arith.constant 1.000000e+00 : f32
    %sub3A_206 = arith.subf %sub3A, %get3A_1 : f32
    %mul3A_207 = vector.broadcast %sub3A_206 : f32 to vector<2x16x1024xf32>
    %mul3A_208 = arith.mulf %mul3A_207, %add3A_204 : vector<2x16x1024xf32>
    %mul3A_209 = vector.broadcast %get3A_1 : f32 to vector<2x16x1024xf32>
    %mul3A_210 = arith.mulf %mul3A_209, %add3A_205 : vector<2x16x1024xf32>
    %mul3A_211 = arith.constant 6.250000e-02 : f32
    %mul3A_212 = vector.broadcast %mul3A_211 : f32 to vector<2x16x1024xf32>
    %mul3A_213 = arith.mulf %mul3A_210, %mul3A_212 : vector<2x16x1024xf32>
    %add3A_214 = arith.addf %mul3A_208, %mul3A_213 : vector<2x16x1024xf32>
    %swap3A = arith.constant 0 : index
    %swap3A_215 = arith.constant 0 : index
    %swap3A_216 = arith.constant 0 : index
    %swap3A_217 = vector.load %arg4[%swap3A, %swap3A_215, %swap3A_216] : memref<2x16x1024xf32, #tpu.memory_space<vmem>>, vector<2x16x1024xf32>
    tpu.vector_store %arg4[%swap3A, %swap3A_215, %swap3A_216], %add3A_214 {strides = array<i32>} : memref<2x16x1024xf32, #tpu.memory_space<vmem>>, vector<2x16x1024xf32>,
    return
  }
  func.func @transform_0(%arg0: i32) -> (i32, i32) {
    %c0_i32 = arith.constant 0 : i32
    %c0_i32_0 = arith.constant 0 : i32
    %c0_i32_1 = arith.constant 0 : i32
    return %c0_i32, %c0_i32_0 : i32, i32
  }
  func.func @transform_1(%arg0: i32) -> (i32, i32) {
    %c0_i32 = arith.constant 0 : i32
    %c0_i32_0 = arith.constant 0 : i32
    %c0_i32_1 = arith.constant 0 : i32
    return %c0_i32, %c0_i32_0 : i32, i32
  }
  func.func @transform_2(%arg0: i32) -> (i32, i32, i32, i32) {
    %c0_i32 = arith.constant 0 : i32
    %c0_i32_0 = arith.constant 0 : i32
    %c0_i32_1 = arith.constant 0 : i32
    %c0_i32_2 = arith.constant 0 : i32
    return %c0_i32, %arg0, %c0_i32_0, %c0_i32_1 : i32, i32, i32, i32
  }
  func.func @transform_3(%arg0: i32) -> (i32, i32, i32) {
    %c0_i32 = arith.constant 0 : i32
    %c0_i32_0 = arith.constant 0 : i32
    %c0_i32_1 = arith.constant 0 : i32
    return %arg0, %c0_i32, %c0_i32_0 : i32, i32, i32
  }
}

module attributes {stable_mosaic.version = 14 : i64} {
  func.func @_head_body(%arg0: i32, %arg1: memref<2x1024x128xf32, #tpu.memory_space<vmem>>, %arg2: memref<16x16xf32, #tpu.memory_space<vmem>>, %arg3: memref<16x5xf32, #tpu.memory_space<vmem>>, %arg4: memref<16x2x16x1024xf32, #tpu.memory_space<vmem>>) attributes {dimension_semantics = [#tpu.dimension_semantics<arbitrary>], iteration_bounds = array<i64: 4>, scalar_prefetch = 0 : i64, scratch_operands = 0 : i64, tpu.core_type = #tpu.core_type<tc>, window_params = [{transform_indices = @transform_0, window_bounds = array<i64: 2, 1024, 128>}, {pipeline_mode = #tpu.pipeline_mode<synchronous>, transform_indices = @transform_1, window_bounds = array<i64: 16, 16>}, {pipeline_mode = #tpu.pipeline_mode<synchronous>, transform_indices = @transform_2, window_bounds = array<i64: 16, 5>}, {transform_indices = @transform_3, window_bounds = array<i64: 16, 2, 16, 1024>}]} {
    %get3A = arith.constant 0 : index
    %get3A_0 = arith.constant 0 : index
    %get3A_1 = vector.load %arg2[%get3A, %get3A_0] : memref<16x16xf32, #tpu.memory_space<vmem>>, vector<16x16xf32>
    %bitcast_convert_type3A = tpu.bitcast %get3A_1 : vector<16x16xf32> -> vector<16x16xi32>
    %shift_right_arithmetic3A = arith.constant 16 : i32
    %shift_right_arithmetic3A_2 = vector.broadcast %shift_right_arithmetic3A : i32 to vector<16x16xi32>
    %shift_right_arithmetic3A_3 = arith.shrsi %bitcast_convert_type3A, %shift_right_arithmetic3A_2 : vector<16x16xi32>
    %and3A = arith.constant 1 : i32
    %and3A_4 = vector.broadcast %and3A : i32 to vector<16x16xi32>
    %and3A_5 = arith.andi %shift_right_arithmetic3A_3, %and3A_4 : vector<16x16xi32>
    %add3A = arith.addi %bitcast_convert_type3A, %and3A_5 : vector<16x16xi32>
    %add3A_6 = arith.constant 32767 : i32
    %add3A_7 = vector.broadcast %add3A_6 : i32 to vector<16x16xi32>
    %add3A_8 = arith.addi %add3A, %add3A_7 : vector<16x16xi32>
    %and3A_9 = arith.constant -65536 : i32
    %and3A_10 = vector.broadcast %and3A_9 : i32 to vector<16x16xi32>
    %and3A_11 = arith.andi %add3A_8, %and3A_10 : vector<16x16xi32>
    %bitcast_convert_type3A_12 = tpu.bitcast %and3A_11 : vector<16x16xi32> -> vector<16x16xf32>
    %convert_element_type3A = arith.truncf %bitcast_convert_type3A_12 : vector<16x16xf32> to vector<16x16xbf16>
    %get3A_13 = arith.constant 0 : index
    %get3A_14 = arith.constant 0 : index
    %get3A_15 = arith.constant 0 : index
    %get3A_16 = vector.load %arg1[%get3A_13, %get3A_14, %get3A_15] : memref<2x1024x128xf32, #tpu.memory_space<vmem>>, vector<1x1024x128xf32>
    %get3A_17 = vector.shape_cast %get3A_16 : vector<1x1024x128xf32> to vector<1024x128xf32>
    %slice3A = vector.extract_strided_slice %get3A_17 {offsets = [0, 0], sizes = [1024, 16], strides = [1, 1]} : vector<1024x128xf32> to vector<1024x16xf32>
    %bitcast_convert_type3A_18 = tpu.bitcast %slice3A : vector<1024x16xf32> -> vector<1024x16xi32>
    %shift_right_arithmetic3A_19 = arith.constant 16 : i32
    %shift_right_arithmetic3A_20 = vector.broadcast %shift_right_arithmetic3A_19 : i32 to vector<1024x16xi32>
    %shift_right_arithmetic3A_21 = arith.shrsi %bitcast_convert_type3A_18, %shift_right_arithmetic3A_20 : vector<1024x16xi32>
    %and3A_22 = arith.constant 1 : i32
    %and3A_23 = vector.broadcast %and3A_22 : i32 to vector<1024x16xi32>
    %and3A_24 = arith.andi %shift_right_arithmetic3A_21, %and3A_23 : vector<1024x16xi32>
    %add3A_25 = arith.addi %bitcast_convert_type3A_18, %and3A_24 : vector<1024x16xi32>
    %add3A_26 = arith.constant 32767 : i32
    %add3A_27 = vector.broadcast %add3A_26 : i32 to vector<1024x16xi32>
    %add3A_28 = arith.addi %add3A_25, %add3A_27 : vector<1024x16xi32>
    %and3A_29 = arith.constant -65536 : i32
    %and3A_30 = vector.broadcast %and3A_29 : i32 to vector<1024x16xi32>
    %and3A_31 = arith.andi %add3A_28, %and3A_30 : vector<1024x16xi32>
    %bitcast_convert_type3A_32 = tpu.bitcast %and3A_31 : vector<1024x16xi32> -> vector<1024x16xf32>
    %convert_element_type3A_33 = arith.truncf %bitcast_convert_type3A_32 : vector<1024x16xf32> to vector<1024x16xbf16>
    %dot_general3A = arith.constant dense<0.000000e+00> : vector<16x1024xf32>
    %dot_general3A_34 = tpu.matmul %convert_element_type3A, %convert_element_type3A_33, %dot_general3A {dimension_numbers = #tpu.dot_dimension_numbers<[1], [1], [0], [0], [0, 0, 1, 0], [], []>, transpose_lhs_hint = false} : vector<16x16xbf16>, vector<1024x16xbf16>, vector<16x1024xf32> -> vector<16x1024xf32>
    %get3A_35 = arith.constant 0 : index
    %get3A_36 = arith.constant 0 : index
    %get3A_37 = vector.load %arg3[%get3A_35, %get3A_36] : memref<16x5xf32, #tpu.memory_space<vmem>>, vector<16x1xf32>
    %add3A_38 = vector.broadcast %get3A_37 : vector<16x1xf32> to vector<16x1024xf32>
    %add3A_39 = arith.addf %dot_general3A_34, %add3A_38 : vector<16x1024xf32>
    %get3A_40 = arith.constant 0 : index
    %get3A_41 = arith.constant 3 : index
    %get3A_42 = vector.load %arg3[%get3A_40, %get3A_41] : memref<16x5xf32, #tpu.memory_space<vmem>>, vector<16x1xf32>
    %sub3A = vector.broadcast %get3A_42 : vector<16x1xf32> to vector<16x1024xf32>
    %sub3A_43 = arith.subf %add3A_39, %sub3A : vector<16x1024xf32>
    %get3A_44 = arith.constant 0 : index
    %get3A_45 = arith.constant 4 : index
    %get3A_46 = vector.load %arg3[%get3A_44, %get3A_45] : memref<16x5xf32, #tpu.memory_space<vmem>>, vector<16x1xf32>
    %add3A_47 = arith.constant 9.99999974E-6 : f32
    %add3A_48 = vector.broadcast %add3A_47 : f32 to vector<16x1xf32>
    %add3A_49 = arith.addf %get3A_46, %add3A_48 : vector<16x1xf32>
    %sqrt3A = math.sqrt %add3A_49 : vector<16x1xf32>
    %div3A = vector.broadcast %sqrt3A : vector<16x1xf32> to vector<16x1024xf32>
    %div3A_50 = arith.divf %sub3A_43, %div3A : vector<16x1024xf32>
    %get3A_51 = arith.constant 0 : index
    %get3A_52 = arith.constant 1 : index
    %get3A_53 = vector.load %arg3[%get3A_51, %get3A_52] : memref<16x5xf32, #tpu.memory_space<vmem>>, vector<16x1xf32>
    %mul3A = vector.broadcast %get3A_53 : vector<16x1xf32> to vector<16x1024xf32>
    %mul3A_54 = arith.mulf %div3A_50, %mul3A : vector<16x1024xf32>
    %get3A_55 = arith.constant 0 : index
    %get3A_56 = arith.constant 2 : index
    %get3A_57 = vector.load %arg3[%get3A_55, %get3A_56] : memref<16x5xf32, #tpu.memory_space<vmem>>, vector<16x1xf32>
    %add3A_58 = vector.broadcast %get3A_57 : vector<16x1xf32> to vector<16x1024xf32>
    %add3A_59 = arith.addf %mul3A_54, %add3A_58 : vector<16x1024xf32>
    %broadcast_in_dim3A = arith.constant 0.000000e+00 : f32
    %broadcast_in_dim3A_60 = vector.broadcast %broadcast_in_dim3A : f32 to vector<16x1024xf32>
    %sub3A_61 = arith.subf %add3A_59, %broadcast_in_dim3A_60 : vector<16x1024xf32>
    %div3A_62 = arith.constant 2.000000e+00 : f32
    %div3A_63 = vector.broadcast %div3A_62 : f32 to vector<16x1024xf32>
    %div3A_64 = arith.divf %sub3A_61, %div3A_63 : vector<16x1024xf32>
    %add3A_65 = arith.addf %broadcast_in_dim3A_60, %div3A_64 : vector<16x1024xf32>
    %sub3A_66 = arith.constant 1.000000e+00 : f32
    %sub3A_67 = vector.broadcast %sub3A_66 : f32 to vector<16x1024xf32>
    %sub3A_68 = arith.subf %add3A_65, %sub3A_67 : vector<16x1024xf32>
    %ge3A = arith.constant 0.000000e+00 : f32
    %ge3A_69 = vector.broadcast %ge3A : f32 to vector<16x1024xf32>
    %ge3A_70 = arith.cmpf oge, %sub3A_68, %ge3A_69 : vector<16x1024xf32>
    %convert_element_type3A_71 = arith.extui %ge3A_70 : vector<16x1024xi1> to vector<16x1024xi32>
    %convert_element_type3A_72 = arith.sitofp %convert_element_type3A_71 : vector<16x1024xi32> to vector<16x1024xf32>
    %swap3A = arith.constant 0 : index
    %swap3A_73 = arith.constant 0 : index
    %swap3A_74 = arith.constant 0 : index
    %swap3A_75 = arith.constant 0 : index
    %swap3A_76 = vector.load %arg4[%swap3A, %swap3A_73, %swap3A_74, %swap3A_75] : memref<16x2x16x1024xf32, #tpu.memory_space<vmem>>, vector<1x1x16x1024xf32>
    %swap3A_77 = vector.shape_cast %swap3A_76 : vector<1x1x16x1024xf32> to vector<16x1024xf32>
    %swap3A_78 = vector.shape_cast %convert_element_type3A_72 : vector<16x1024xf32> to vector<1x1x16x1024xf32>
    tpu.vector_store %arg4[%swap3A, %swap3A_73, %swap3A_74, %swap3A_75], %swap3A_78 {strides = array<i32>} : memref<16x2x16x1024xf32, #tpu.memory_space<vmem>>, vector<1x1x16x1024xf32>,
    %sub3A_79 = arith.constant 1.000000e+00 : f32
    %sub3A_80 = vector.broadcast %sub3A_79 : f32 to vector<16x1024xf32>
    %sub3A_81 = arith.subf %sub3A_80, %convert_element_type3A_72 : vector<16x1024xf32>
    %mul3A_82 = arith.mulf %sub3A_81, %add3A_65 : vector<16x1024xf32>
    %sub3A_83 = arith.subf %add3A_59, %mul3A_82 : vector<16x1024xf32>
    %div3A_84 = arith.constant 2.000000e+00 : f32
    %div3A_85 = vector.broadcast %div3A_84 : f32 to vector<16x1024xf32>
    %div3A_86 = arith.divf %sub3A_83, %div3A_85 : vector<16x1024xf32>
    %add3A_87 = arith.addf %mul3A_82, %div3A_86 : vector<16x1024xf32>
    %sub3A_88 = arith.constant 1.000000e+00 : f32
    %sub3A_89 = vector.broadcast %sub3A_88 : f32 to vector<16x1024xf32>
    %sub3A_90 = arith.subf %add3A_87, %sub3A_89 : vector<16x1024xf32>
    %ge3A_91 = arith.constant 0.000000e+00 : f32
    %ge3A_92 = vector.broadcast %ge3A_91 : f32 to vector<16x1024xf32>
    %ge3A_93 = arith.cmpf oge, %sub3A_90, %ge3A_92 : vector<16x1024xf32>
    %convert_element_type3A_94 = arith.extui %ge3A_93 : vector<16x1024xi1> to vector<16x1024xi32>
    %convert_element_type3A_95 = arith.sitofp %convert_element_type3A_94 : vector<16x1024xi32> to vector<16x1024xf32>
    %swap3A_96 = arith.constant 1 : index
    %swap3A_97 = arith.constant 0 : index
    %swap3A_98 = arith.constant 0 : index
    %swap3A_99 = arith.constant 0 : index
    %swap3A_100 = vector.load %arg4[%swap3A_96, %swap3A_97, %swap3A_98, %swap3A_99] : memref<16x2x16x1024xf32, #tpu.memory_space<vmem>>, vector<1x1x16x1024xf32>
    %swap3A_101 = vector.shape_cast %swap3A_100 : vector<1x1x16x1024xf32> to vector<16x1024xf32>
    %swap3A_102 = vector.shape_cast %convert_element_type3A_95 : vector<16x1024xf32> to vector<1x1x16x1024xf32>
    tpu.vector_store %arg4[%swap3A_96, %swap3A_97, %swap3A_98, %swap3A_99], %swap3A_102 {strides = array<i32>} : memref<16x2x16x1024xf32, #tpu.memory_space<vmem>>, vector<1x1x16x1024xf32>,
    %sub3A_103 = arith.constant 1.000000e+00 : f32
    %sub3A_104 = vector.broadcast %sub3A_103 : f32 to vector<16x1024xf32>
    %sub3A_105 = arith.subf %sub3A_104, %convert_element_type3A_95 : vector<16x1024xf32>
    %mul3A_106 = arith.mulf %sub3A_105, %add3A_87 : vector<16x1024xf32>
    %sub3A_107 = arith.subf %add3A_59, %mul3A_106 : vector<16x1024xf32>
    %div3A_108 = arith.constant 2.000000e+00 : f32
    %div3A_109 = vector.broadcast %div3A_108 : f32 to vector<16x1024xf32>
    %div3A_110 = arith.divf %sub3A_107, %div3A_109 : vector<16x1024xf32>
    %add3A_111 = arith.addf %mul3A_106, %div3A_110 : vector<16x1024xf32>
    %sub3A_112 = arith.constant 1.000000e+00 : f32
    %sub3A_113 = vector.broadcast %sub3A_112 : f32 to vector<16x1024xf32>
    %sub3A_114 = arith.subf %add3A_111, %sub3A_113 : vector<16x1024xf32>
    %ge3A_115 = arith.constant 0.000000e+00 : f32
    %ge3A_116 = vector.broadcast %ge3A_115 : f32 to vector<16x1024xf32>
    %ge3A_117 = arith.cmpf oge, %sub3A_114, %ge3A_116 : vector<16x1024xf32>
    %convert_element_type3A_118 = arith.extui %ge3A_117 : vector<16x1024xi1> to vector<16x1024xi32>
    %convert_element_type3A_119 = arith.sitofp %convert_element_type3A_118 : vector<16x1024xi32> to vector<16x1024xf32>
    %swap3A_120 = arith.constant 2 : index
    %swap3A_121 = arith.constant 0 : index
    %swap3A_122 = arith.constant 0 : index
    %swap3A_123 = arith.constant 0 : index
    %swap3A_124 = vector.load %arg4[%swap3A_120, %swap3A_121, %swap3A_122, %swap3A_123] : memref<16x2x16x1024xf32, #tpu.memory_space<vmem>>, vector<1x1x16x1024xf32>
    %swap3A_125 = vector.shape_cast %swap3A_124 : vector<1x1x16x1024xf32> to vector<16x1024xf32>
    %swap3A_126 = vector.shape_cast %convert_element_type3A_119 : vector<16x1024xf32> to vector<1x1x16x1024xf32>
    tpu.vector_store %arg4[%swap3A_120, %swap3A_121, %swap3A_122, %swap3A_123], %swap3A_126 {strides = array<i32>} : memref<16x2x16x1024xf32, #tpu.memory_space<vmem>>, vector<1x1x16x1024xf32>,
    %sub3A_127 = arith.constant 1.000000e+00 : f32
    %sub3A_128 = vector.broadcast %sub3A_127 : f32 to vector<16x1024xf32>
    %sub3A_129 = arith.subf %sub3A_128, %convert_element_type3A_119 : vector<16x1024xf32>
    %mul3A_130 = arith.mulf %sub3A_129, %add3A_111 : vector<16x1024xf32>
    %sub3A_131 = arith.subf %add3A_59, %mul3A_130 : vector<16x1024xf32>
    %div3A_132 = arith.constant 2.000000e+00 : f32
    %div3A_133 = vector.broadcast %div3A_132 : f32 to vector<16x1024xf32>
    %div3A_134 = arith.divf %sub3A_131, %div3A_133 : vector<16x1024xf32>
    %add3A_135 = arith.addf %mul3A_130, %div3A_134 : vector<16x1024xf32>
    %sub3A_136 = arith.constant 1.000000e+00 : f32
    %sub3A_137 = vector.broadcast %sub3A_136 : f32 to vector<16x1024xf32>
    %sub3A_138 = arith.subf %add3A_135, %sub3A_137 : vector<16x1024xf32>
    %ge3A_139 = arith.constant 0.000000e+00 : f32
    %ge3A_140 = vector.broadcast %ge3A_139 : f32 to vector<16x1024xf32>
    %ge3A_141 = arith.cmpf oge, %sub3A_138, %ge3A_140 : vector<16x1024xf32>
    %convert_element_type3A_142 = arith.extui %ge3A_141 : vector<16x1024xi1> to vector<16x1024xi32>
    %convert_element_type3A_143 = arith.sitofp %convert_element_type3A_142 : vector<16x1024xi32> to vector<16x1024xf32>
    %swap3A_144 = arith.constant 3 : index
    %swap3A_145 = arith.constant 0 : index
    %swap3A_146 = arith.constant 0 : index
    %swap3A_147 = arith.constant 0 : index
    %swap3A_148 = vector.load %arg4[%swap3A_144, %swap3A_145, %swap3A_146, %swap3A_147] : memref<16x2x16x1024xf32, #tpu.memory_space<vmem>>, vector<1x1x16x1024xf32>
    %swap3A_149 = vector.shape_cast %swap3A_148 : vector<1x1x16x1024xf32> to vector<16x1024xf32>
    %swap3A_150 = vector.shape_cast %convert_element_type3A_143 : vector<16x1024xf32> to vector<1x1x16x1024xf32>
    tpu.vector_store %arg4[%swap3A_144, %swap3A_145, %swap3A_146, %swap3A_147], %swap3A_150 {strides = array<i32>} : memref<16x2x16x1024xf32, #tpu.memory_space<vmem>>, vector<1x1x16x1024xf32>,
    %sub3A_151 = arith.constant 1.000000e+00 : f32
    %sub3A_152 = vector.broadcast %sub3A_151 : f32 to vector<16x1024xf32>
    %sub3A_153 = arith.subf %sub3A_152, %convert_element_type3A_143 : vector<16x1024xf32>
    %mul3A_154 = arith.mulf %sub3A_153, %add3A_135 : vector<16x1024xf32>
    %sub3A_155 = arith.subf %add3A_59, %mul3A_154 : vector<16x1024xf32>
    %div3A_156 = arith.constant 2.000000e+00 : f32
    %div3A_157 = vector.broadcast %div3A_156 : f32 to vector<16x1024xf32>
    %div3A_158 = arith.divf %sub3A_155, %div3A_157 : vector<16x1024xf32>
    %add3A_159 = arith.addf %mul3A_154, %div3A_158 : vector<16x1024xf32>
    %sub3A_160 = arith.constant 1.000000e+00 : f32
    %sub3A_161 = vector.broadcast %sub3A_160 : f32 to vector<16x1024xf32>
    %sub3A_162 = arith.subf %add3A_159, %sub3A_161 : vector<16x1024xf32>
    %ge3A_163 = arith.constant 0.000000e+00 : f32
    %ge3A_164 = vector.broadcast %ge3A_163 : f32 to vector<16x1024xf32>
    %ge3A_165 = arith.cmpf oge, %sub3A_162, %ge3A_164 : vector<16x1024xf32>
    %convert_element_type3A_166 = arith.extui %ge3A_165 : vector<16x1024xi1> to vector<16x1024xi32>
    %convert_element_type3A_167 = arith.sitofp %convert_element_type3A_166 : vector<16x1024xi32> to vector<16x1024xf32>
    %swap3A_168 = arith.constant 4 : index
    %swap3A_169 = arith.constant 0 : index
    %swap3A_170 = arith.constant 0 : index
    %swap3A_171 = arith.constant 0 : index
    %swap3A_172 = vector.load %arg4[%swap3A_168, %swap3A_169, %swap3A_170, %swap3A_171] : memref<16x2x16x1024xf32, #tpu.memory_space<vmem>>, vector<1x1x16x1024xf32>
    %swap3A_173 = vector.shape_cast %swap3A_172 : vector<1x1x16x1024xf32> to vector<16x1024xf32>
    %swap3A_174 = vector.shape_cast %convert_element_type3A_167 : vector<16x1024xf32> to vector<1x1x16x1024xf32>
    tpu.vector_store %arg4[%swap3A_168, %swap3A_169, %swap3A_170, %swap3A_171], %swap3A_174 {strides = array<i32>} : memref<16x2x16x1024xf32, #tpu.memory_space<vmem>>, vector<1x1x16x1024xf32>,
    %sub3A_175 = arith.constant 1.000000e+00 : f32
    %sub3A_176 = vector.broadcast %sub3A_175 : f32 to vector<16x1024xf32>
    %sub3A_177 = arith.subf %sub3A_176, %convert_element_type3A_167 : vector<16x1024xf32>
    %mul3A_178 = arith.mulf %sub3A_177, %add3A_159 : vector<16x1024xf32>
    %sub3A_179 = arith.subf %add3A_59, %mul3A_178 : vector<16x1024xf32>
    %div3A_180 = arith.constant 2.000000e+00 : f32
    %div3A_181 = vector.broadcast %div3A_180 : f32 to vector<16x1024xf32>
    %div3A_182 = arith.divf %sub3A_179, %div3A_181 : vector<16x1024xf32>
    %add3A_183 = arith.addf %mul3A_178, %div3A_182 : vector<16x1024xf32>
    %sub3A_184 = arith.constant 1.000000e+00 : f32
    %sub3A_185 = vector.broadcast %sub3A_184 : f32 to vector<16x1024xf32>
    %sub3A_186 = arith.subf %add3A_183, %sub3A_185 : vector<16x1024xf32>
    %ge3A_187 = arith.constant 0.000000e+00 : f32
    %ge3A_188 = vector.broadcast %ge3A_187 : f32 to vector<16x1024xf32>
    %ge3A_189 = arith.cmpf oge, %sub3A_186, %ge3A_188 : vector<16x1024xf32>
    %convert_element_type3A_190 = arith.extui %ge3A_189 : vector<16x1024xi1> to vector<16x1024xi32>
    %convert_element_type3A_191 = arith.sitofp %convert_element_type3A_190 : vector<16x1024xi32> to vector<16x1024xf32>
    %swap3A_192 = arith.constant 5 : index
    %swap3A_193 = arith.constant 0 : index
    %swap3A_194 = arith.constant 0 : index
    %swap3A_195 = arith.constant 0 : index
    %swap3A_196 = vector.load %arg4[%swap3A_192, %swap3A_193, %swap3A_194, %swap3A_195] : memref<16x2x16x1024xf32, #tpu.memory_space<vmem>>, vector<1x1x16x1024xf32>
    %swap3A_197 = vector.shape_cast %swap3A_196 : vector<1x1x16x1024xf32> to vector<16x1024xf32>
    %swap3A_198 = vector.shape_cast %convert_element_type3A_191 : vector<16x1024xf32> to vector<1x1x16x1024xf32>
    tpu.vector_store %arg4[%swap3A_192, %swap3A_193, %swap3A_194, %swap3A_195], %swap3A_198 {strides = array<i32>} : memref<16x2x16x1024xf32, #tpu.memory_space<vmem>>, vector<1x1x16x1024xf32>,
    %sub3A_199 = arith.constant 1.000000e+00 : f32
    %sub3A_200 = vector.broadcast %sub3A_199 : f32 to vector<16x1024xf32>
    %sub3A_201 = arith.subf %sub3A_200, %convert_element_type3A_191 : vector<16x1024xf32>
    %mul3A_202 = arith.mulf %sub3A_201, %add3A_183 : vector<16x1024xf32>
    %sub3A_203 = arith.subf %add3A_59, %mul3A_202 : vector<16x1024xf32>
    %div3A_204 = arith.constant 2.000000e+00 : f32
    %div3A_205 = vector.broadcast %div3A_204 : f32 to vector<16x1024xf32>
    %div3A_206 = arith.divf %sub3A_203, %div3A_205 : vector<16x1024xf32>
    %add3A_207 = arith.addf %mul3A_202, %div3A_206 : vector<16x1024xf32>
    %sub3A_208 = arith.constant 1.000000e+00 : f32
    %sub3A_209 = vector.broadcast %sub3A_208 : f32 to vector<16x1024xf32>
    %sub3A_210 = arith.subf %add3A_207, %sub3A_209 : vector<16x1024xf32>
    %ge3A_211 = arith.constant 0.000000e+00 : f32
    %ge3A_212 = vector.broadcast %ge3A_211 : f32 to vector<16x1024xf32>
    %ge3A_213 = arith.cmpf oge, %sub3A_210, %ge3A_212 : vector<16x1024xf32>
    %convert_element_type3A_214 = arith.extui %ge3A_213 : vector<16x1024xi1> to vector<16x1024xi32>
    %convert_element_type3A_215 = arith.sitofp %convert_element_type3A_214 : vector<16x1024xi32> to vector<16x1024xf32>
    %swap3A_216 = arith.constant 6 : index
    %swap3A_217 = arith.constant 0 : index
    %swap3A_218 = arith.constant 0 : index
    %swap3A_219 = arith.constant 0 : index
    %swap3A_220 = vector.load %arg4[%swap3A_216, %swap3A_217, %swap3A_218, %swap3A_219] : memref<16x2x16x1024xf32, #tpu.memory_space<vmem>>, vector<1x1x16x1024xf32>
    %swap3A_221 = vector.shape_cast %swap3A_220 : vector<1x1x16x1024xf32> to vector<16x1024xf32>
    %swap3A_222 = vector.shape_cast %convert_element_type3A_215 : vector<16x1024xf32> to vector<1x1x16x1024xf32>
    tpu.vector_store %arg4[%swap3A_216, %swap3A_217, %swap3A_218, %swap3A_219], %swap3A_222 {strides = array<i32>} : memref<16x2x16x1024xf32, #tpu.memory_space<vmem>>, vector<1x1x16x1024xf32>,
    %sub3A_223 = arith.constant 1.000000e+00 : f32
    %sub3A_224 = vector.broadcast %sub3A_223 : f32 to vector<16x1024xf32>
    %sub3A_225 = arith.subf %sub3A_224, %convert_element_type3A_215 : vector<16x1024xf32>
    %mul3A_226 = arith.mulf %sub3A_225, %add3A_207 : vector<16x1024xf32>
    %sub3A_227 = arith.subf %add3A_59, %mul3A_226 : vector<16x1024xf32>
    %div3A_228 = arith.constant 2.000000e+00 : f32
    %div3A_229 = vector.broadcast %div3A_228 : f32 to vector<16x1024xf32>
    %div3A_230 = arith.divf %sub3A_227, %div3A_229 : vector<16x1024xf32>
    %add3A_231 = arith.addf %mul3A_226, %div3A_230 : vector<16x1024xf32>
    %sub3A_232 = arith.constant 1.000000e+00 : f32
    %sub3A_233 = vector.broadcast %sub3A_232 : f32 to vector<16x1024xf32>
    %sub3A_234 = arith.subf %add3A_231, %sub3A_233 : vector<16x1024xf32>
    %ge3A_235 = arith.constant 0.000000e+00 : f32
    %ge3A_236 = vector.broadcast %ge3A_235 : f32 to vector<16x1024xf32>
    %ge3A_237 = arith.cmpf oge, %sub3A_234, %ge3A_236 : vector<16x1024xf32>
    %convert_element_type3A_238 = arith.extui %ge3A_237 : vector<16x1024xi1> to vector<16x1024xi32>
    %convert_element_type3A_239 = arith.sitofp %convert_element_type3A_238 : vector<16x1024xi32> to vector<16x1024xf32>
    %swap3A_240 = arith.constant 7 : index
    %swap3A_241 = arith.constant 0 : index
    %swap3A_242 = arith.constant 0 : index
    %swap3A_243 = arith.constant 0 : index
    %swap3A_244 = vector.load %arg4[%swap3A_240, %swap3A_241, %swap3A_242, %swap3A_243] : memref<16x2x16x1024xf32, #tpu.memory_space<vmem>>, vector<1x1x16x1024xf32>
    %swap3A_245 = vector.shape_cast %swap3A_244 : vector<1x1x16x1024xf32> to vector<16x1024xf32>
    %swap3A_246 = vector.shape_cast %convert_element_type3A_239 : vector<16x1024xf32> to vector<1x1x16x1024xf32>
    tpu.vector_store %arg4[%swap3A_240, %swap3A_241, %swap3A_242, %swap3A_243], %swap3A_246 {strides = array<i32>} : memref<16x2x16x1024xf32, #tpu.memory_space<vmem>>, vector<1x1x16x1024xf32>,
    %sub3A_247 = arith.constant 1.000000e+00 : f32
    %sub3A_248 = vector.broadcast %sub3A_247 : f32 to vector<16x1024xf32>
    %sub3A_249 = arith.subf %sub3A_248, %convert_element_type3A_239 : vector<16x1024xf32>
    %mul3A_250 = arith.mulf %sub3A_249, %add3A_231 : vector<16x1024xf32>
    %sub3A_251 = arith.subf %add3A_59, %mul3A_250 : vector<16x1024xf32>
    %div3A_252 = arith.constant 2.000000e+00 : f32
    %div3A_253 = vector.broadcast %div3A_252 : f32 to vector<16x1024xf32>
    %div3A_254 = arith.divf %sub3A_251, %div3A_253 : vector<16x1024xf32>
    %add3A_255 = arith.addf %mul3A_250, %div3A_254 : vector<16x1024xf32>
    %sub3A_256 = arith.constant 1.000000e+00 : f32
    %sub3A_257 = vector.broadcast %sub3A_256 : f32 to vector<16x1024xf32>
    %sub3A_258 = arith.subf %add3A_255, %sub3A_257 : vector<16x1024xf32>
    %ge3A_259 = arith.constant 0.000000e+00 : f32
    %ge3A_260 = vector.broadcast %ge3A_259 : f32 to vector<16x1024xf32>
    %ge3A_261 = arith.cmpf oge, %sub3A_258, %ge3A_260 : vector<16x1024xf32>
    %convert_element_type3A_262 = arith.extui %ge3A_261 : vector<16x1024xi1> to vector<16x1024xi32>
    %convert_element_type3A_263 = arith.sitofp %convert_element_type3A_262 : vector<16x1024xi32> to vector<16x1024xf32>
    %swap3A_264 = arith.constant 8 : index
    %swap3A_265 = arith.constant 0 : index
    %swap3A_266 = arith.constant 0 : index
    %swap3A_267 = arith.constant 0 : index
    %swap3A_268 = vector.load %arg4[%swap3A_264, %swap3A_265, %swap3A_266, %swap3A_267] : memref<16x2x16x1024xf32, #tpu.memory_space<vmem>>, vector<1x1x16x1024xf32>
    %swap3A_269 = vector.shape_cast %swap3A_268 : vector<1x1x16x1024xf32> to vector<16x1024xf32>
    %swap3A_270 = vector.shape_cast %convert_element_type3A_263 : vector<16x1024xf32> to vector<1x1x16x1024xf32>
    tpu.vector_store %arg4[%swap3A_264, %swap3A_265, %swap3A_266, %swap3A_267], %swap3A_270 {strides = array<i32>} : memref<16x2x16x1024xf32, #tpu.memory_space<vmem>>, vector<1x1x16x1024xf32>,
    %sub3A_271 = arith.constant 1.000000e+00 : f32
    %sub3A_272 = vector.broadcast %sub3A_271 : f32 to vector<16x1024xf32>
    %sub3A_273 = arith.subf %sub3A_272, %convert_element_type3A_263 : vector<16x1024xf32>
    %mul3A_274 = arith.mulf %sub3A_273, %add3A_255 : vector<16x1024xf32>
    %sub3A_275 = arith.subf %add3A_59, %mul3A_274 : vector<16x1024xf32>
    %div3A_276 = arith.constant 2.000000e+00 : f32
    %div3A_277 = vector.broadcast %div3A_276 : f32 to vector<16x1024xf32>
    %div3A_278 = arith.divf %sub3A_275, %div3A_277 : vector<16x1024xf32>
    %add3A_279 = arith.addf %mul3A_274, %div3A_278 : vector<16x1024xf32>
    %sub3A_280 = arith.constant 1.000000e+00 : f32
    %sub3A_281 = vector.broadcast %sub3A_280 : f32 to vector<16x1024xf32>
    %sub3A_282 = arith.subf %add3A_279, %sub3A_281 : vector<16x1024xf32>
    %ge3A_283 = arith.constant 0.000000e+00 : f32
    %ge3A_284 = vector.broadcast %ge3A_283 : f32 to vector<16x1024xf32>
    %ge3A_285 = arith.cmpf oge, %sub3A_282, %ge3A_284 : vector<16x1024xf32>
    %convert_element_type3A_286 = arith.extui %ge3A_285 : vector<16x1024xi1> to vector<16x1024xi32>
    %convert_element_type3A_287 = arith.sitofp %convert_element_type3A_286 : vector<16x1024xi32> to vector<16x1024xf32>
    %swap3A_288 = arith.constant 9 : index
    %swap3A_289 = arith.constant 0 : index
    %swap3A_290 = arith.constant 0 : index
    %swap3A_291 = arith.constant 0 : index
    %swap3A_292 = vector.load %arg4[%swap3A_288, %swap3A_289, %swap3A_290, %swap3A_291] : memref<16x2x16x1024xf32, #tpu.memory_space<vmem>>, vector<1x1x16x1024xf32>
    %swap3A_293 = vector.shape_cast %swap3A_292 : vector<1x1x16x1024xf32> to vector<16x1024xf32>
    %swap3A_294 = vector.shape_cast %convert_element_type3A_287 : vector<16x1024xf32> to vector<1x1x16x1024xf32>
    tpu.vector_store %arg4[%swap3A_288, %swap3A_289, %swap3A_290, %swap3A_291], %swap3A_294 {strides = array<i32>} : memref<16x2x16x1024xf32, #tpu.memory_space<vmem>>, vector<1x1x16x1024xf32>,
    %sub3A_295 = arith.constant 1.000000e+00 : f32
    %sub3A_296 = vector.broadcast %sub3A_295 : f32 to vector<16x1024xf32>
    %sub3A_297 = arith.subf %sub3A_296, %convert_element_type3A_287 : vector<16x1024xf32>
    %mul3A_298 = arith.mulf %sub3A_297, %add3A_279 : vector<16x1024xf32>
    %sub3A_299 = arith.subf %add3A_59, %mul3A_298 : vector<16x1024xf32>
    %div3A_300 = arith.constant 2.000000e+00 : f32
    %div3A_301 = vector.broadcast %div3A_300 : f32 to vector<16x1024xf32>
    %div3A_302 = arith.divf %sub3A_299, %div3A_301 : vector<16x1024xf32>
    %add3A_303 = arith.addf %mul3A_298, %div3A_302 : vector<16x1024xf32>
    %sub3A_304 = arith.constant 1.000000e+00 : f32
    %sub3A_305 = vector.broadcast %sub3A_304 : f32 to vector<16x1024xf32>
    %sub3A_306 = arith.subf %add3A_303, %sub3A_305 : vector<16x1024xf32>
    %ge3A_307 = arith.constant 0.000000e+00 : f32
    %ge3A_308 = vector.broadcast %ge3A_307 : f32 to vector<16x1024xf32>
    %ge3A_309 = arith.cmpf oge, %sub3A_306, %ge3A_308 : vector<16x1024xf32>
    %convert_element_type3A_310 = arith.extui %ge3A_309 : vector<16x1024xi1> to vector<16x1024xi32>
    %convert_element_type3A_311 = arith.sitofp %convert_element_type3A_310 : vector<16x1024xi32> to vector<16x1024xf32>
    %swap3A_312 = arith.constant 10 : index
    %swap3A_313 = arith.constant 0 : index
    %swap3A_314 = arith.constant 0 : index
    %swap3A_315 = arith.constant 0 : index
    %swap3A_316 = vector.load %arg4[%swap3A_312, %swap3A_313, %swap3A_314, %swap3A_315] : memref<16x2x16x1024xf32, #tpu.memory_space<vmem>>, vector<1x1x16x1024xf32>
    %swap3A_317 = vector.shape_cast %swap3A_316 : vector<1x1x16x1024xf32> to vector<16x1024xf32>
    %swap3A_318 = vector.shape_cast %convert_element_type3A_311 : vector<16x1024xf32> to vector<1x1x16x1024xf32>
    tpu.vector_store %arg4[%swap3A_312, %swap3A_313, %swap3A_314, %swap3A_315], %swap3A_318 {strides = array<i32>} : memref<16x2x16x1024xf32, #tpu.memory_space<vmem>>, vector<1x1x16x1024xf32>,
    %sub3A_319 = arith.constant 1.000000e+00 : f32
    %sub3A_320 = vector.broadcast %sub3A_319 : f32 to vector<16x1024xf32>
    %sub3A_321 = arith.subf %sub3A_320, %convert_element_type3A_311 : vector<16x1024xf32>
    %mul3A_322 = arith.mulf %sub3A_321, %add3A_303 : vector<16x1024xf32>
    %sub3A_323 = arith.subf %add3A_59, %mul3A_322 : vector<16x1024xf32>
    %div3A_324 = arith.constant 2.000000e+00 : f32
    %div3A_325 = vector.broadcast %div3A_324 : f32 to vector<16x1024xf32>
    %div3A_326 = arith.divf %sub3A_323, %div3A_325 : vector<16x1024xf32>
    %add3A_327 = arith.addf %mul3A_322, %div3A_326 : vector<16x1024xf32>
    %sub3A_328 = arith.constant 1.000000e+00 : f32
    %sub3A_329 = vector.broadcast %sub3A_328 : f32 to vector<16x1024xf32>
    %sub3A_330 = arith.subf %add3A_327, %sub3A_329 : vector<16x1024xf32>
    %ge3A_331 = arith.constant 0.000000e+00 : f32
    %ge3A_332 = vector.broadcast %ge3A_331 : f32 to vector<16x1024xf32>
    %ge3A_333 = arith.cmpf oge, %sub3A_330, %ge3A_332 : vector<16x1024xf32>
    %convert_element_type3A_334 = arith.extui %ge3A_333 : vector<16x1024xi1> to vector<16x1024xi32>
    %convert_element_type3A_335 = arith.sitofp %convert_element_type3A_334 : vector<16x1024xi32> to vector<16x1024xf32>
    %swap3A_336 = arith.constant 11 : index
    %swap3A_337 = arith.constant 0 : index
    %swap3A_338 = arith.constant 0 : index
    %swap3A_339 = arith.constant 0 : index
    %swap3A_340 = vector.load %arg4[%swap3A_336, %swap3A_337, %swap3A_338, %swap3A_339] : memref<16x2x16x1024xf32, #tpu.memory_space<vmem>>, vector<1x1x16x1024xf32>
    %swap3A_341 = vector.shape_cast %swap3A_340 : vector<1x1x16x1024xf32> to vector<16x1024xf32>
    %swap3A_342 = vector.shape_cast %convert_element_type3A_335 : vector<16x1024xf32> to vector<1x1x16x1024xf32>
    tpu.vector_store %arg4[%swap3A_336, %swap3A_337, %swap3A_338, %swap3A_339], %swap3A_342 {strides = array<i32>} : memref<16x2x16x1024xf32, #tpu.memory_space<vmem>>, vector<1x1x16x1024xf32>,
    %sub3A_343 = arith.constant 1.000000e+00 : f32
    %sub3A_344 = vector.broadcast %sub3A_343 : f32 to vector<16x1024xf32>
    %sub3A_345 = arith.subf %sub3A_344, %convert_element_type3A_335 : vector<16x1024xf32>
    %mul3A_346 = arith.mulf %sub3A_345, %add3A_327 : vector<16x1024xf32>
    %sub3A_347 = arith.subf %add3A_59, %mul3A_346 : vector<16x1024xf32>
    %div3A_348 = arith.constant 2.000000e+00 : f32
    %div3A_349 = vector.broadcast %div3A_348 : f32 to vector<16x1024xf32>
    %div3A_350 = arith.divf %sub3A_347, %div3A_349 : vector<16x1024xf32>
    %add3A_351 = arith.addf %mul3A_346, %div3A_350 : vector<16x1024xf32>
    %sub3A_352 = arith.constant 1.000000e+00 : f32
    %sub3A_353 = vector.broadcast %sub3A_352 : f32 to vector<16x1024xf32>
    %sub3A_354 = arith.subf %add3A_351, %sub3A_353 : vector<16x1024xf32>
    %ge3A_355 = arith.constant 0.000000e+00 : f32
    %ge3A_356 = vector.broadcast %ge3A_355 : f32 to vector<16x1024xf32>
    %ge3A_357 = arith.cmpf oge, %sub3A_354, %ge3A_356 : vector<16x1024xf32>
    %convert_element_type3A_358 = arith.extui %ge3A_357 : vector<16x1024xi1> to vector<16x1024xi32>
    %convert_element_type3A_359 = arith.sitofp %convert_element_type3A_358 : vector<16x1024xi32> to vector<16x1024xf32>
    %swap3A_360 = arith.constant 12 : index
    %swap3A_361 = arith.constant 0 : index
    %swap3A_362 = arith.constant 0 : index
    %swap3A_363 = arith.constant 0 : index
    %swap3A_364 = vector.load %arg4[%swap3A_360, %swap3A_361, %swap3A_362, %swap3A_363] : memref<16x2x16x1024xf32, #tpu.memory_space<vmem>>, vector<1x1x16x1024xf32>
    %swap3A_365 = vector.shape_cast %swap3A_364 : vector<1x1x16x1024xf32> to vector<16x1024xf32>
    %swap3A_366 = vector.shape_cast %convert_element_type3A_359 : vector<16x1024xf32> to vector<1x1x16x1024xf32>
    tpu.vector_store %arg4[%swap3A_360, %swap3A_361, %swap3A_362, %swap3A_363], %swap3A_366 {strides = array<i32>} : memref<16x2x16x1024xf32, #tpu.memory_space<vmem>>, vector<1x1x16x1024xf32>,
    %sub3A_367 = arith.constant 1.000000e+00 : f32
    %sub3A_368 = vector.broadcast %sub3A_367 : f32 to vector<16x1024xf32>
    %sub3A_369 = arith.subf %sub3A_368, %convert_element_type3A_359 : vector<16x1024xf32>
    %mul3A_370 = arith.mulf %sub3A_369, %add3A_351 : vector<16x1024xf32>
    %sub3A_371 = arith.subf %add3A_59, %mul3A_370 : vector<16x1024xf32>
    %div3A_372 = arith.constant 2.000000e+00 : f32
    %div3A_373 = vector.broadcast %div3A_372 : f32 to vector<16x1024xf32>
    %div3A_374 = arith.divf %sub3A_371, %div3A_373 : vector<16x1024xf32>
    %add3A_375 = arith.addf %mul3A_370, %div3A_374 : vector<16x1024xf32>
    %sub3A_376 = arith.constant 1.000000e+00 : f32
    %sub3A_377 = vector.broadcast %sub3A_376 : f32 to vector<16x1024xf32>
    %sub3A_378 = arith.subf %add3A_375, %sub3A_377 : vector<16x1024xf32>
    %ge3A_379 = arith.constant 0.000000e+00 : f32
    %ge3A_380 = vector.broadcast %ge3A_379 : f32 to vector<16x1024xf32>
    %ge3A_381 = arith.cmpf oge, %sub3A_378, %ge3A_380 : vector<16x1024xf32>
    %convert_element_type3A_382 = arith.extui %ge3A_381 : vector<16x1024xi1> to vector<16x1024xi32>
    %convert_element_type3A_383 = arith.sitofp %convert_element_type3A_382 : vector<16x1024xi32> to vector<16x1024xf32>
    %swap3A_384 = arith.constant 13 : index
    %swap3A_385 = arith.constant 0 : index
    %swap3A_386 = arith.constant 0 : index
    %swap3A_387 = arith.constant 0 : index
    %swap3A_388 = vector.load %arg4[%swap3A_384, %swap3A_385, %swap3A_386, %swap3A_387] : memref<16x2x16x1024xf32, #tpu.memory_space<vmem>>, vector<1x1x16x1024xf32>
    %swap3A_389 = vector.shape_cast %swap3A_388 : vector<1x1x16x1024xf32> to vector<16x1024xf32>
    %swap3A_390 = vector.shape_cast %convert_element_type3A_383 : vector<16x1024xf32> to vector<1x1x16x1024xf32>
    tpu.vector_store %arg4[%swap3A_384, %swap3A_385, %swap3A_386, %swap3A_387], %swap3A_390 {strides = array<i32>} : memref<16x2x16x1024xf32, #tpu.memory_space<vmem>>, vector<1x1x16x1024xf32>,
    %sub3A_391 = arith.constant 1.000000e+00 : f32
    %sub3A_392 = vector.broadcast %sub3A_391 : f32 to vector<16x1024xf32>
    %sub3A_393 = arith.subf %sub3A_392, %convert_element_type3A_383 : vector<16x1024xf32>
    %mul3A_394 = arith.mulf %sub3A_393, %add3A_375 : vector<16x1024xf32>
    %sub3A_395 = arith.subf %add3A_59, %mul3A_394 : vector<16x1024xf32>
    %div3A_396 = arith.constant 2.000000e+00 : f32
    %div3A_397 = vector.broadcast %div3A_396 : f32 to vector<16x1024xf32>
    %div3A_398 = arith.divf %sub3A_395, %div3A_397 : vector<16x1024xf32>
    %add3A_399 = arith.addf %mul3A_394, %div3A_398 : vector<16x1024xf32>
    %sub3A_400 = arith.constant 1.000000e+00 : f32
    %sub3A_401 = vector.broadcast %sub3A_400 : f32 to vector<16x1024xf32>
    %sub3A_402 = arith.subf %add3A_399, %sub3A_401 : vector<16x1024xf32>
    %ge3A_403 = arith.constant 0.000000e+00 : f32
    %ge3A_404 = vector.broadcast %ge3A_403 : f32 to vector<16x1024xf32>
    %ge3A_405 = arith.cmpf oge, %sub3A_402, %ge3A_404 : vector<16x1024xf32>
    %convert_element_type3A_406 = arith.extui %ge3A_405 : vector<16x1024xi1> to vector<16x1024xi32>
    %convert_element_type3A_407 = arith.sitofp %convert_element_type3A_406 : vector<16x1024xi32> to vector<16x1024xf32>
    %swap3A_408 = arith.constant 14 : index
    %swap3A_409 = arith.constant 0 : index
    %swap3A_410 = arith.constant 0 : index
    %swap3A_411 = arith.constant 0 : index
    %swap3A_412 = vector.load %arg4[%swap3A_408, %swap3A_409, %swap3A_410, %swap3A_411] : memref<16x2x16x1024xf32, #tpu.memory_space<vmem>>, vector<1x1x16x1024xf32>
    %swap3A_413 = vector.shape_cast %swap3A_412 : vector<1x1x16x1024xf32> to vector<16x1024xf32>
    %swap3A_414 = vector.shape_cast %convert_element_type3A_407 : vector<16x1024xf32> to vector<1x1x16x1024xf32>
    tpu.vector_store %arg4[%swap3A_408, %swap3A_409, %swap3A_410, %swap3A_411], %swap3A_414 {strides = array<i32>} : memref<16x2x16x1024xf32, #tpu.memory_space<vmem>>, vector<1x1x16x1024xf32>,
    %sub3A_415 = arith.constant 1.000000e+00 : f32
    %sub3A_416 = vector.broadcast %sub3A_415 : f32 to vector<16x1024xf32>
    %sub3A_417 = arith.subf %sub3A_416, %convert_element_type3A_407 : vector<16x1024xf32>
    %mul3A_418 = arith.mulf %sub3A_417, %add3A_399 : vector<16x1024xf32>
    %sub3A_419 = arith.subf %add3A_59, %mul3A_418 : vector<16x1024xf32>
    %div3A_420 = arith.constant 2.000000e+00 : f32
    %div3A_421 = vector.broadcast %div3A_420 : f32 to vector<16x1024xf32>
    %div3A_422 = arith.divf %sub3A_419, %div3A_421 : vector<16x1024xf32>
    %add3A_423 = arith.addf %mul3A_418, %div3A_422 : vector<16x1024xf32>
    %sub3A_424 = arith.constant 1.000000e+00 : f32
    %sub3A_425 = vector.broadcast %sub3A_424 : f32 to vector<16x1024xf32>
    %sub3A_426 = arith.subf %add3A_423, %sub3A_425 : vector<16x1024xf32>
    %ge3A_427 = arith.constant 0.000000e+00 : f32
    %ge3A_428 = vector.broadcast %ge3A_427 : f32 to vector<16x1024xf32>
    %ge3A_429 = arith.cmpf oge, %sub3A_426, %ge3A_428 : vector<16x1024xf32>
    %convert_element_type3A_430 = arith.extui %ge3A_429 : vector<16x1024xi1> to vector<16x1024xi32>
    %convert_element_type3A_431 = arith.sitofp %convert_element_type3A_430 : vector<16x1024xi32> to vector<16x1024xf32>
    %swap3A_432 = arith.constant 15 : index
    %swap3A_433 = arith.constant 0 : index
    %swap3A_434 = arith.constant 0 : index
    %swap3A_435 = arith.constant 0 : index
    %swap3A_436 = vector.load %arg4[%swap3A_432, %swap3A_433, %swap3A_434, %swap3A_435] : memref<16x2x16x1024xf32, #tpu.memory_space<vmem>>, vector<1x1x16x1024xf32>
    %swap3A_437 = vector.shape_cast %swap3A_436 : vector<1x1x16x1024xf32> to vector<16x1024xf32>
    %swap3A_438 = vector.shape_cast %convert_element_type3A_431 : vector<16x1024xf32> to vector<1x1x16x1024xf32>
    tpu.vector_store %arg4[%swap3A_432, %swap3A_433, %swap3A_434, %swap3A_435], %swap3A_438 {strides = array<i32>} : memref<16x2x16x1024xf32, #tpu.memory_space<vmem>>, vector<1x1x16x1024xf32>,
    %get3A_439 = arith.constant 1 : index
    %get3A_440 = arith.constant 0 : index
    %get3A_441 = arith.constant 0 : index
    %get3A_442 = vector.load %arg1[%get3A_439, %get3A_440, %get3A_441] : memref<2x1024x128xf32, #tpu.memory_space<vmem>>, vector<1x1024x128xf32>
    %get3A_443 = vector.shape_cast %get3A_442 : vector<1x1024x128xf32> to vector<1024x128xf32>
    %slice3A_444 = vector.extract_strided_slice %get3A_443 {offsets = [0, 0], sizes = [1024, 16], strides = [1, 1]} : vector<1024x128xf32> to vector<1024x16xf32>
    %bitcast_convert_type3A_445 = tpu.bitcast %slice3A_444 : vector<1024x16xf32> -> vector<1024x16xi32>
    %shift_right_arithmetic3A_446 = arith.constant 16 : i32
    %shift_right_arithmetic3A_447 = vector.broadcast %shift_right_arithmetic3A_446 : i32 to vector<1024x16xi32>
    %shift_right_arithmetic3A_448 = arith.shrsi %bitcast_convert_type3A_445, %shift_right_arithmetic3A_447 : vector<1024x16xi32>
    %and3A_449 = arith.constant 1 : i32
    %and3A_450 = vector.broadcast %and3A_449 : i32 to vector<1024x16xi32>
    %and3A_451 = arith.andi %shift_right_arithmetic3A_448, %and3A_450 : vector<1024x16xi32>
    %add3A_452 = arith.addi %bitcast_convert_type3A_445, %and3A_451 : vector<1024x16xi32>
    %add3A_453 = arith.constant 32767 : i32
    %add3A_454 = vector.broadcast %add3A_453 : i32 to vector<1024x16xi32>
    %add3A_455 = arith.addi %add3A_452, %add3A_454 : vector<1024x16xi32>
    %and3A_456 = arith.constant -65536 : i32
    %and3A_457 = vector.broadcast %and3A_456 : i32 to vector<1024x16xi32>
    %and3A_458 = arith.andi %add3A_455, %and3A_457 : vector<1024x16xi32>
    %bitcast_convert_type3A_459 = tpu.bitcast %and3A_458 : vector<1024x16xi32> -> vector<1024x16xf32>
    %convert_element_type3A_460 = arith.truncf %bitcast_convert_type3A_459 : vector<1024x16xf32> to vector<1024x16xbf16>
    %dot_general3A_461 = arith.constant dense<0.000000e+00> : vector<16x1024xf32>
    %dot_general3A_462 = tpu.matmul %convert_element_type3A, %convert_element_type3A_460, %dot_general3A_461 {dimension_numbers = #tpu.dot_dimension_numbers<[1], [1], [0], [0], [0, 0, 1, 0], [], []>, transpose_lhs_hint = false} : vector<16x16xbf16>, vector<1024x16xbf16>, vector<16x1024xf32> -> vector<16x1024xf32>
    %get3A_463 = arith.constant 0 : index
    %get3A_464 = arith.constant 0 : index
    %get3A_465 = vector.load %arg3[%get3A_463, %get3A_464] : memref<16x5xf32, #tpu.memory_space<vmem>>, vector<16x1xf32>
    %add3A_466 = vector.broadcast %get3A_465 : vector<16x1xf32> to vector<16x1024xf32>
    %add3A_467 = arith.addf %dot_general3A_462, %add3A_466 : vector<16x1024xf32>
    %get3A_468 = arith.constant 0 : index
    %get3A_469 = arith.constant 3 : index
    %get3A_470 = vector.load %arg3[%get3A_468, %get3A_469] : memref<16x5xf32, #tpu.memory_space<vmem>>, vector<16x1xf32>
    %sub3A_471 = vector.broadcast %get3A_470 : vector<16x1xf32> to vector<16x1024xf32>
    %sub3A_472 = arith.subf %add3A_467, %sub3A_471 : vector<16x1024xf32>
    %get3A_473 = arith.constant 0 : index
    %get3A_474 = arith.constant 4 : index
    %get3A_475 = vector.load %arg3[%get3A_473, %get3A_474] : memref<16x5xf32, #tpu.memory_space<vmem>>, vector<16x1xf32>
    %add3A_476 = arith.constant 9.99999974E-6 : f32
    %add3A_477 = vector.broadcast %add3A_476 : f32 to vector<16x1xf32>
    %add3A_478 = arith.addf %get3A_475, %add3A_477 : vector<16x1xf32>
    %sqrt3A_479 = math.sqrt %add3A_478 : vector<16x1xf32>
    %div3A_480 = vector.broadcast %sqrt3A_479 : vector<16x1xf32> to vector<16x1024xf32>
    %div3A_481 = arith.divf %sub3A_472, %div3A_480 : vector<16x1024xf32>
    %get3A_482 = arith.constant 0 : index
    %get3A_483 = arith.constant 1 : index
    %get3A_484 = vector.load %arg3[%get3A_482, %get3A_483] : memref<16x5xf32, #tpu.memory_space<vmem>>, vector<16x1xf32>
    %mul3A_485 = vector.broadcast %get3A_484 : vector<16x1xf32> to vector<16x1024xf32>
    %mul3A_486 = arith.mulf %div3A_481, %mul3A_485 : vector<16x1024xf32>
    %get3A_487 = arith.constant 0 : index
    %get3A_488 = arith.constant 2 : index
    %get3A_489 = vector.load %arg3[%get3A_487, %get3A_488] : memref<16x5xf32, #tpu.memory_space<vmem>>, vector<16x1xf32>
    %add3A_490 = vector.broadcast %get3A_489 : vector<16x1xf32> to vector<16x1024xf32>
    %add3A_491 = arith.addf %mul3A_486, %add3A_490 : vector<16x1024xf32>
    %broadcast_in_dim3A_492 = arith.constant 0.000000e+00 : f32
    %broadcast_in_dim3A_493 = vector.broadcast %broadcast_in_dim3A_492 : f32 to vector<16x1024xf32>
    %sub3A_494 = arith.subf %add3A_491, %broadcast_in_dim3A_493 : vector<16x1024xf32>
    %div3A_495 = arith.constant 2.000000e+00 : f32
    %div3A_496 = vector.broadcast %div3A_495 : f32 to vector<16x1024xf32>
    %div3A_497 = arith.divf %sub3A_494, %div3A_496 : vector<16x1024xf32>
    %add3A_498 = arith.addf %broadcast_in_dim3A_493, %div3A_497 : vector<16x1024xf32>
    %sub3A_499 = arith.constant 1.000000e+00 : f32
    %sub3A_500 = vector.broadcast %sub3A_499 : f32 to vector<16x1024xf32>
    %sub3A_501 = arith.subf %add3A_498, %sub3A_500 : vector<16x1024xf32>
    %ge3A_502 = arith.constant 0.000000e+00 : f32
    %ge3A_503 = vector.broadcast %ge3A_502 : f32 to vector<16x1024xf32>
    %ge3A_504 = arith.cmpf oge, %sub3A_501, %ge3A_503 : vector<16x1024xf32>
    %convert_element_type3A_505 = arith.extui %ge3A_504 : vector<16x1024xi1> to vector<16x1024xi32>
    %convert_element_type3A_506 = arith.sitofp %convert_element_type3A_505 : vector<16x1024xi32> to vector<16x1024xf32>
    %swap3A_507 = arith.constant 0 : index
    %swap3A_508 = arith.constant 1 : index
    %swap3A_509 = arith.constant 0 : index
    %swap3A_510 = arith.constant 0 : index
    %swap3A_511 = vector.load %arg4[%swap3A_507, %swap3A_508, %swap3A_509, %swap3A_510] : memref<16x2x16x1024xf32, #tpu.memory_space<vmem>>, vector<1x1x16x1024xf32>
    %swap3A_512 = vector.shape_cast %swap3A_511 : vector<1x1x16x1024xf32> to vector<16x1024xf32>
    %swap3A_513 = vector.shape_cast %convert_element_type3A_506 : vector<16x1024xf32> to vector<1x1x16x1024xf32>
    tpu.vector_store %arg4[%swap3A_507, %swap3A_508, %swap3A_509, %swap3A_510], %swap3A_513 {strides = array<i32>} : memref<16x2x16x1024xf32, #tpu.memory_space<vmem>>, vector<1x1x16x1024xf32>,
    %sub3A_514 = arith.constant 1.000000e+00 : f32
    %sub3A_515 = vector.broadcast %sub3A_514 : f32 to vector<16x1024xf32>
    %sub3A_516 = arith.subf %sub3A_515, %convert_element_type3A_506 : vector<16x1024xf32>
    %mul3A_517 = arith.mulf %sub3A_516, %add3A_498 : vector<16x1024xf32>
    %sub3A_518 = arith.subf %add3A_491, %mul3A_517 : vector<16x1024xf32>
    %div3A_519 = arith.constant 2.000000e+00 : f32
    %div3A_520 = vector.broadcast %div3A_519 : f32 to vector<16x1024xf32>
    %div3A_521 = arith.divf %sub3A_518, %div3A_520 : vector<16x1024xf32>
    %add3A_522 = arith.addf %mul3A_517, %div3A_521 : vector<16x1024xf32>
    %sub3A_523 = arith.constant 1.000000e+00 : f32
    %sub3A_524 = vector.broadcast %sub3A_523 : f32 to vector<16x1024xf32>
    %sub3A_525 = arith.subf %add3A_522, %sub3A_524 : vector<16x1024xf32>
    %ge3A_526 = arith.constant 0.000000e+00 : f32
    %ge3A_527 = vector.broadcast %ge3A_526 : f32 to vector<16x1024xf32>
    %ge3A_528 = arith.cmpf oge, %sub3A_525, %ge3A_527 : vector<16x1024xf32>
    %convert_element_type3A_529 = arith.extui %ge3A_528 : vector<16x1024xi1> to vector<16x1024xi32>
    %convert_element_type3A_530 = arith.sitofp %convert_element_type3A_529 : vector<16x1024xi32> to vector<16x1024xf32>
    %swap3A_531 = arith.constant 1 : index
    %swap3A_532 = arith.constant 1 : index
    %swap3A_533 = arith.constant 0 : index
    %swap3A_534 = arith.constant 0 : index
    %swap3A_535 = vector.load %arg4[%swap3A_531, %swap3A_532, %swap3A_533, %swap3A_534] : memref<16x2x16x1024xf32, #tpu.memory_space<vmem>>, vector<1x1x16x1024xf32>
    %swap3A_536 = vector.shape_cast %swap3A_535 : vector<1x1x16x1024xf32> to vector<16x1024xf32>
    %swap3A_537 = vector.shape_cast %convert_element_type3A_530 : vector<16x1024xf32> to vector<1x1x16x1024xf32>
    tpu.vector_store %arg4[%swap3A_531, %swap3A_532, %swap3A_533, %swap3A_534], %swap3A_537 {strides = array<i32>} : memref<16x2x16x1024xf32, #tpu.memory_space<vmem>>, vector<1x1x16x1024xf32>,
    %sub3A_538 = arith.constant 1.000000e+00 : f32
    %sub3A_539 = vector.broadcast %sub3A_538 : f32 to vector<16x1024xf32>
    %sub3A_540 = arith.subf %sub3A_539, %convert_element_type3A_530 : vector<16x1024xf32>
    %mul3A_541 = arith.mulf %sub3A_540, %add3A_522 : vector<16x1024xf32>
    %sub3A_542 = arith.subf %add3A_491, %mul3A_541 : vector<16x1024xf32>
    %div3A_543 = arith.constant 2.000000e+00 : f32
    %div3A_544 = vector.broadcast %div3A_543 : f32 to vector<16x1024xf32>
    %div3A_545 = arith.divf %sub3A_542, %div3A_544 : vector<16x1024xf32>
    %add3A_546 = arith.addf %mul3A_541, %div3A_545 : vector<16x1024xf32>
    %sub3A_547 = arith.constant 1.000000e+00 : f32
    %sub3A_548 = vector.broadcast %sub3A_547 : f32 to vector<16x1024xf32>
    %sub3A_549 = arith.subf %add3A_546, %sub3A_548 : vector<16x1024xf32>
    %ge3A_550 = arith.constant 0.000000e+00 : f32
    %ge3A_551 = vector.broadcast %ge3A_550 : f32 to vector<16x1024xf32>
    %ge3A_552 = arith.cmpf oge, %sub3A_549, %ge3A_551 : vector<16x1024xf32>
    %convert_element_type3A_553 = arith.extui %ge3A_552 : vector<16x1024xi1> to vector<16x1024xi32>
    %convert_element_type3A_554 = arith.sitofp %convert_element_type3A_553 : vector<16x1024xi32> to vector<16x1024xf32>
    %swap3A_555 = arith.constant 2 : index
    %swap3A_556 = arith.constant 1 : index
    %swap3A_557 = arith.constant 0 : index
    %swap3A_558 = arith.constant 0 : index
    %swap3A_559 = vector.load %arg4[%swap3A_555, %swap3A_556, %swap3A_557, %swap3A_558] : memref<16x2x16x1024xf32, #tpu.memory_space<vmem>>, vector<1x1x16x1024xf32>
    %swap3A_560 = vector.shape_cast %swap3A_559 : vector<1x1x16x1024xf32> to vector<16x1024xf32>
    %swap3A_561 = vector.shape_cast %convert_element_type3A_554 : vector<16x1024xf32> to vector<1x1x16x1024xf32>
    tpu.vector_store %arg4[%swap3A_555, %swap3A_556, %swap3A_557, %swap3A_558], %swap3A_561 {strides = array<i32>} : memref<16x2x16x1024xf32, #tpu.memory_space<vmem>>, vector<1x1x16x1024xf32>,
    %sub3A_562 = arith.constant 1.000000e+00 : f32
    %sub3A_563 = vector.broadcast %sub3A_562 : f32 to vector<16x1024xf32>
    %sub3A_564 = arith.subf %sub3A_563, %convert_element_type3A_554 : vector<16x1024xf32>
    %mul3A_565 = arith.mulf %sub3A_564, %add3A_546 : vector<16x1024xf32>
    %sub3A_566 = arith.subf %add3A_491, %mul3A_565 : vector<16x1024xf32>
    %div3A_567 = arith.constant 2.000000e+00 : f32
    %div3A_568 = vector.broadcast %div3A_567 : f32 to vector<16x1024xf32>
    %div3A_569 = arith.divf %sub3A_566, %div3A_568 : vector<16x1024xf32>
    %add3A_570 = arith.addf %mul3A_565, %div3A_569 : vector<16x1024xf32>
    %sub3A_571 = arith.constant 1.000000e+00 : f32
    %sub3A_572 = vector.broadcast %sub3A_571 : f32 to vector<16x1024xf32>
    %sub3A_573 = arith.subf %add3A_570, %sub3A_572 : vector<16x1024xf32>
    %ge3A_574 = arith.constant 0.000000e+00 : f32
    %ge3A_575 = vector.broadcast %ge3A_574 : f32 to vector<16x1024xf32>
    %ge3A_576 = arith.cmpf oge, %sub3A_573, %ge3A_575 : vector<16x1024xf32>
    %convert_element_type3A_577 = arith.extui %ge3A_576 : vector<16x1024xi1> to vector<16x1024xi32>
    %convert_element_type3A_578 = arith.sitofp %convert_element_type3A_577 : vector<16x1024xi32> to vector<16x1024xf32>
    %swap3A_579 = arith.constant 3 : index
    %swap3A_580 = arith.constant 1 : index
    %swap3A_581 = arith.constant 0 : index
    %swap3A_582 = arith.constant 0 : index
    %swap3A_583 = vector.load %arg4[%swap3A_579, %swap3A_580, %swap3A_581, %swap3A_582] : memref<16x2x16x1024xf32, #tpu.memory_space<vmem>>, vector<1x1x16x1024xf32>
    %swap3A_584 = vector.shape_cast %swap3A_583 : vector<1x1x16x1024xf32> to vector<16x1024xf32>
    %swap3A_585 = vector.shape_cast %convert_element_type3A_578 : vector<16x1024xf32> to vector<1x1x16x1024xf32>
    tpu.vector_store %arg4[%swap3A_579, %swap3A_580, %swap3A_581, %swap3A_582], %swap3A_585 {strides = array<i32>} : memref<16x2x16x1024xf32, #tpu.memory_space<vmem>>, vector<1x1x16x1024xf32>,
    %sub3A_586 = arith.constant 1.000000e+00 : f32
    %sub3A_587 = vector.broadcast %sub3A_586 : f32 to vector<16x1024xf32>
    %sub3A_588 = arith.subf %sub3A_587, %convert_element_type3A_578 : vector<16x1024xf32>
    %mul3A_589 = arith.mulf %sub3A_588, %add3A_570 : vector<16x1024xf32>
    %sub3A_590 = arith.subf %add3A_491, %mul3A_589 : vector<16x1024xf32>
    %div3A_591 = arith.constant 2.000000e+00 : f32
    %div3A_592 = vector.broadcast %div3A_591 : f32 to vector<16x1024xf32>
    %div3A_593 = arith.divf %sub3A_590, %div3A_592 : vector<16x1024xf32>
    %add3A_594 = arith.addf %mul3A_589, %div3A_593 : vector<16x1024xf32>
    %sub3A_595 = arith.constant 1.000000e+00 : f32
    %sub3A_596 = vector.broadcast %sub3A_595 : f32 to vector<16x1024xf32>
    %sub3A_597 = arith.subf %add3A_594, %sub3A_596 : vector<16x1024xf32>
    %ge3A_598 = arith.constant 0.000000e+00 : f32
    %ge3A_599 = vector.broadcast %ge3A_598 : f32 to vector<16x1024xf32>
    %ge3A_600 = arith.cmpf oge, %sub3A_597, %ge3A_599 : vector<16x1024xf32>
    %convert_element_type3A_601 = arith.extui %ge3A_600 : vector<16x1024xi1> to vector<16x1024xi32>
    %convert_element_type3A_602 = arith.sitofp %convert_element_type3A_601 : vector<16x1024xi32> to vector<16x1024xf32>
    %swap3A_603 = arith.constant 4 : index
    %swap3A_604 = arith.constant 1 : index
    %swap3A_605 = arith.constant 0 : index
    %swap3A_606 = arith.constant 0 : index
    %swap3A_607 = vector.load %arg4[%swap3A_603, %swap3A_604, %swap3A_605, %swap3A_606] : memref<16x2x16x1024xf32, #tpu.memory_space<vmem>>, vector<1x1x16x1024xf32>
    %swap3A_608 = vector.shape_cast %swap3A_607 : vector<1x1x16x1024xf32> to vector<16x1024xf32>
    %swap3A_609 = vector.shape_cast %convert_element_type3A_602 : vector<16x1024xf32> to vector<1x1x16x1024xf32>
    tpu.vector_store %arg4[%swap3A_603, %swap3A_604, %swap3A_605, %swap3A_606], %swap3A_609 {strides = array<i32>} : memref<16x2x16x1024xf32, #tpu.memory_space<vmem>>, vector<1x1x16x1024xf32>,
    %sub3A_610 = arith.constant 1.000000e+00 : f32
    %sub3A_611 = vector.broadcast %sub3A_610 : f32 to vector<16x1024xf32>
    %sub3A_612 = arith.subf %sub3A_611, %convert_element_type3A_602 : vector<16x1024xf32>
    %mul3A_613 = arith.mulf %sub3A_612, %add3A_594 : vector<16x1024xf32>
    %sub3A_614 = arith.subf %add3A_491, %mul3A_613 : vector<16x1024xf32>
    %div3A_615 = arith.constant 2.000000e+00 : f32
    %div3A_616 = vector.broadcast %div3A_615 : f32 to vector<16x1024xf32>
    %div3A_617 = arith.divf %sub3A_614, %div3A_616 : vector<16x1024xf32>
    %add3A_618 = arith.addf %mul3A_613, %div3A_617 : vector<16x1024xf32>
    %sub3A_619 = arith.constant 1.000000e+00 : f32
    %sub3A_620 = vector.broadcast %sub3A_619 : f32 to vector<16x1024xf32>
    %sub3A_621 = arith.subf %add3A_618, %sub3A_620 : vector<16x1024xf32>
    %ge3A_622 = arith.constant 0.000000e+00 : f32
    %ge3A_623 = vector.broadcast %ge3A_622 : f32 to vector<16x1024xf32>
    %ge3A_624 = arith.cmpf oge, %sub3A_621, %ge3A_623 : vector<16x1024xf32>
    %convert_element_type3A_625 = arith.extui %ge3A_624 : vector<16x1024xi1> to vector<16x1024xi32>
    %convert_element_type3A_626 = arith.sitofp %convert_element_type3A_625 : vector<16x1024xi32> to vector<16x1024xf32>
    %swap3A_627 = arith.constant 5 : index
    %swap3A_628 = arith.constant 1 : index
    %swap3A_629 = arith.constant 0 : index
    %swap3A_630 = arith.constant 0 : index
    %swap3A_631 = vector.load %arg4[%swap3A_627, %swap3A_628, %swap3A_629, %swap3A_630] : memref<16x2x16x1024xf32, #tpu.memory_space<vmem>>, vector<1x1x16x1024xf32>
    %swap3A_632 = vector.shape_cast %swap3A_631 : vector<1x1x16x1024xf32> to vector<16x1024xf32>
    %swap3A_633 = vector.shape_cast %convert_element_type3A_626 : vector<16x1024xf32> to vector<1x1x16x1024xf32>
    tpu.vector_store %arg4[%swap3A_627, %swap3A_628, %swap3A_629, %swap3A_630], %swap3A_633 {strides = array<i32>} : memref<16x2x16x1024xf32, #tpu.memory_space<vmem>>, vector<1x1x16x1024xf32>,
    %sub3A_634 = arith.constant 1.000000e+00 : f32
    %sub3A_635 = vector.broadcast %sub3A_634 : f32 to vector<16x1024xf32>
    %sub3A_636 = arith.subf %sub3A_635, %convert_element_type3A_626 : vector<16x1024xf32>
    %mul3A_637 = arith.mulf %sub3A_636, %add3A_618 : vector<16x1024xf32>
    %sub3A_638 = arith.subf %add3A_491, %mul3A_637 : vector<16x1024xf32>
    %div3A_639 = arith.constant 2.000000e+00 : f32
    %div3A_640 = vector.broadcast %div3A_639 : f32 to vector<16x1024xf32>
    %div3A_641 = arith.divf %sub3A_638, %div3A_640 : vector<16x1024xf32>
    %add3A_642 = arith.addf %mul3A_637, %div3A_641 : vector<16x1024xf32>
    %sub3A_643 = arith.constant 1.000000e+00 : f32
    %sub3A_644 = vector.broadcast %sub3A_643 : f32 to vector<16x1024xf32>
    %sub3A_645 = arith.subf %add3A_642, %sub3A_644 : vector<16x1024xf32>
    %ge3A_646 = arith.constant 0.000000e+00 : f32
    %ge3A_647 = vector.broadcast %ge3A_646 : f32 to vector<16x1024xf32>
    %ge3A_648 = arith.cmpf oge, %sub3A_645, %ge3A_647 : vector<16x1024xf32>
    %convert_element_type3A_649 = arith.extui %ge3A_648 : vector<16x1024xi1> to vector<16x1024xi32>
    %convert_element_type3A_650 = arith.sitofp %convert_element_type3A_649 : vector<16x1024xi32> to vector<16x1024xf32>
    %swap3A_651 = arith.constant 6 : index
    %swap3A_652 = arith.constant 1 : index
    %swap3A_653 = arith.constant 0 : index
    %swap3A_654 = arith.constant 0 : index
    %swap3A_655 = vector.load %arg4[%swap3A_651, %swap3A_652, %swap3A_653, %swap3A_654] : memref<16x2x16x1024xf32, #tpu.memory_space<vmem>>, vector<1x1x16x1024xf32>
    %swap3A_656 = vector.shape_cast %swap3A_655 : vector<1x1x16x1024xf32> to vector<16x1024xf32>
    %swap3A_657 = vector.shape_cast %convert_element_type3A_650 : vector<16x1024xf32> to vector<1x1x16x1024xf32>
    tpu.vector_store %arg4[%swap3A_651, %swap3A_652, %swap3A_653, %swap3A_654], %swap3A_657 {strides = array<i32>} : memref<16x2x16x1024xf32, #tpu.memory_space<vmem>>, vector<1x1x16x1024xf32>,
    %sub3A_658 = arith.constant 1.000000e+00 : f32
    %sub3A_659 = vector.broadcast %sub3A_658 : f32 to vector<16x1024xf32>
    %sub3A_660 = arith.subf %sub3A_659, %convert_element_type3A_650 : vector<16x1024xf32>
    %mul3A_661 = arith.mulf %sub3A_660, %add3A_642 : vector<16x1024xf32>
    %sub3A_662 = arith.subf %add3A_491, %mul3A_661 : vector<16x1024xf32>
    %div3A_663 = arith.constant 2.000000e+00 : f32
    %div3A_664 = vector.broadcast %div3A_663 : f32 to vector<16x1024xf32>
    %div3A_665 = arith.divf %sub3A_662, %div3A_664 : vector<16x1024xf32>
    %add3A_666 = arith.addf %mul3A_661, %div3A_665 : vector<16x1024xf32>
    %sub3A_667 = arith.constant 1.000000e+00 : f32
    %sub3A_668 = vector.broadcast %sub3A_667 : f32 to vector<16x1024xf32>
    %sub3A_669 = arith.subf %add3A_666, %sub3A_668 : vector<16x1024xf32>
    %ge3A_670 = arith.constant 0.000000e+00 : f32
    %ge3A_671 = vector.broadcast %ge3A_670 : f32 to vector<16x1024xf32>
    %ge3A_672 = arith.cmpf oge, %sub3A_669, %ge3A_671 : vector<16x1024xf32>
    %convert_element_type3A_673 = arith.extui %ge3A_672 : vector<16x1024xi1> to vector<16x1024xi32>
    %convert_element_type3A_674 = arith.sitofp %convert_element_type3A_673 : vector<16x1024xi32> to vector<16x1024xf32>
    %swap3A_675 = arith.constant 7 : index
    %swap3A_676 = arith.constant 1 : index
    %swap3A_677 = arith.constant 0 : index
    %swap3A_678 = arith.constant 0 : index
    %swap3A_679 = vector.load %arg4[%swap3A_675, %swap3A_676, %swap3A_677, %swap3A_678] : memref<16x2x16x1024xf32, #tpu.memory_space<vmem>>, vector<1x1x16x1024xf32>
    %swap3A_680 = vector.shape_cast %swap3A_679 : vector<1x1x16x1024xf32> to vector<16x1024xf32>
    %swap3A_681 = vector.shape_cast %convert_element_type3A_674 : vector<16x1024xf32> to vector<1x1x16x1024xf32>
    tpu.vector_store %arg4[%swap3A_675, %swap3A_676, %swap3A_677, %swap3A_678], %swap3A_681 {strides = array<i32>} : memref<16x2x16x1024xf32, #tpu.memory_space<vmem>>, vector<1x1x16x1024xf32>,
    %sub3A_682 = arith.constant 1.000000e+00 : f32
    %sub3A_683 = vector.broadcast %sub3A_682 : f32 to vector<16x1024xf32>
    %sub3A_684 = arith.subf %sub3A_683, %convert_element_type3A_674 : vector<16x1024xf32>
    %mul3A_685 = arith.mulf %sub3A_684, %add3A_666 : vector<16x1024xf32>
    %sub3A_686 = arith.subf %add3A_491, %mul3A_685 : vector<16x1024xf32>
    %div3A_687 = arith.constant 2.000000e+00 : f32
    %div3A_688 = vector.broadcast %div3A_687 : f32 to vector<16x1024xf32>
    %div3A_689 = arith.divf %sub3A_686, %div3A_688 : vector<16x1024xf32>
    %add3A_690 = arith.addf %mul3A_685, %div3A_689 : vector<16x1024xf32>
    %sub3A_691 = arith.constant 1.000000e+00 : f32
    %sub3A_692 = vector.broadcast %sub3A_691 : f32 to vector<16x1024xf32>
    %sub3A_693 = arith.subf %add3A_690, %sub3A_692 : vector<16x1024xf32>
    %ge3A_694 = arith.constant 0.000000e+00 : f32
    %ge3A_695 = vector.broadcast %ge3A_694 : f32 to vector<16x1024xf32>
    %ge3A_696 = arith.cmpf oge, %sub3A_693, %ge3A_695 : vector<16x1024xf32>
    %convert_element_type3A_697 = arith.extui %ge3A_696 : vector<16x1024xi1> to vector<16x1024xi32>
    %convert_element_type3A_698 = arith.sitofp %convert_element_type3A_697 : vector<16x1024xi32> to vector<16x1024xf32>
    %swap3A_699 = arith.constant 8 : index
    %swap3A_700 = arith.constant 1 : index
    %swap3A_701 = arith.constant 0 : index
    %swap3A_702 = arith.constant 0 : index
    %swap3A_703 = vector.load %arg4[%swap3A_699, %swap3A_700, %swap3A_701, %swap3A_702] : memref<16x2x16x1024xf32, #tpu.memory_space<vmem>>, vector<1x1x16x1024xf32>
    %swap3A_704 = vector.shape_cast %swap3A_703 : vector<1x1x16x1024xf32> to vector<16x1024xf32>
    %swap3A_705 = vector.shape_cast %convert_element_type3A_698 : vector<16x1024xf32> to vector<1x1x16x1024xf32>
    tpu.vector_store %arg4[%swap3A_699, %swap3A_700, %swap3A_701, %swap3A_702], %swap3A_705 {strides = array<i32>} : memref<16x2x16x1024xf32, #tpu.memory_space<vmem>>, vector<1x1x16x1024xf32>,
    %sub3A_706 = arith.constant 1.000000e+00 : f32
    %sub3A_707 = vector.broadcast %sub3A_706 : f32 to vector<16x1024xf32>
    %sub3A_708 = arith.subf %sub3A_707, %convert_element_type3A_698 : vector<16x1024xf32>
    %mul3A_709 = arith.mulf %sub3A_708, %add3A_690 : vector<16x1024xf32>
    %sub3A_710 = arith.subf %add3A_491, %mul3A_709 : vector<16x1024xf32>
    %div3A_711 = arith.constant 2.000000e+00 : f32
    %div3A_712 = vector.broadcast %div3A_711 : f32 to vector<16x1024xf32>
    %div3A_713 = arith.divf %sub3A_710, %div3A_712 : vector<16x1024xf32>
    %add3A_714 = arith.addf %mul3A_709, %div3A_713 : vector<16x1024xf32>
    %sub3A_715 = arith.constant 1.000000e+00 : f32
    %sub3A_716 = vector.broadcast %sub3A_715 : f32 to vector<16x1024xf32>
    %sub3A_717 = arith.subf %add3A_714, %sub3A_716 : vector<16x1024xf32>
    %ge3A_718 = arith.constant 0.000000e+00 : f32
    %ge3A_719 = vector.broadcast %ge3A_718 : f32 to vector<16x1024xf32>
    %ge3A_720 = arith.cmpf oge, %sub3A_717, %ge3A_719 : vector<16x1024xf32>
    %convert_element_type3A_721 = arith.extui %ge3A_720 : vector<16x1024xi1> to vector<16x1024xi32>
    %convert_element_type3A_722 = arith.sitofp %convert_element_type3A_721 : vector<16x1024xi32> to vector<16x1024xf32>
    %swap3A_723 = arith.constant 9 : index
    %swap3A_724 = arith.constant 1 : index
    %swap3A_725 = arith.constant 0 : index
    %swap3A_726 = arith.constant 0 : index
    %swap3A_727 = vector.load %arg4[%swap3A_723, %swap3A_724, %swap3A_725, %swap3A_726] : memref<16x2x16x1024xf32, #tpu.memory_space<vmem>>, vector<1x1x16x1024xf32>
    %swap3A_728 = vector.shape_cast %swap3A_727 : vector<1x1x16x1024xf32> to vector<16x1024xf32>
    %swap3A_729 = vector.shape_cast %convert_element_type3A_722 : vector<16x1024xf32> to vector<1x1x16x1024xf32>
    tpu.vector_store %arg4[%swap3A_723, %swap3A_724, %swap3A_725, %swap3A_726], %swap3A_729 {strides = array<i32>} : memref<16x2x16x1024xf32, #tpu.memory_space<vmem>>, vector<1x1x16x1024xf32>,
    %sub3A_730 = arith.constant 1.000000e+00 : f32
    %sub3A_731 = vector.broadcast %sub3A_730 : f32 to vector<16x1024xf32>
    %sub3A_732 = arith.subf %sub3A_731, %convert_element_type3A_722 : vector<16x1024xf32>
    %mul3A_733 = arith.mulf %sub3A_732, %add3A_714 : vector<16x1024xf32>
    %sub3A_734 = arith.subf %add3A_491, %mul3A_733 : vector<16x1024xf32>
    %div3A_735 = arith.constant 2.000000e+00 : f32
    %div3A_736 = vector.broadcast %div3A_735 : f32 to vector<16x1024xf32>
    %div3A_737 = arith.divf %sub3A_734, %div3A_736 : vector<16x1024xf32>
    %add3A_738 = arith.addf %mul3A_733, %div3A_737 : vector<16x1024xf32>
    %sub3A_739 = arith.constant 1.000000e+00 : f32
    %sub3A_740 = vector.broadcast %sub3A_739 : f32 to vector<16x1024xf32>
    %sub3A_741 = arith.subf %add3A_738, %sub3A_740 : vector<16x1024xf32>
    %ge3A_742 = arith.constant 0.000000e+00 : f32
    %ge3A_743 = vector.broadcast %ge3A_742 : f32 to vector<16x1024xf32>
    %ge3A_744 = arith.cmpf oge, %sub3A_741, %ge3A_743 : vector<16x1024xf32>
    %convert_element_type3A_745 = arith.extui %ge3A_744 : vector<16x1024xi1> to vector<16x1024xi32>
    %convert_element_type3A_746 = arith.sitofp %convert_element_type3A_745 : vector<16x1024xi32> to vector<16x1024xf32>
    %swap3A_747 = arith.constant 10 : index
    %swap3A_748 = arith.constant 1 : index
    %swap3A_749 = arith.constant 0 : index
    %swap3A_750 = arith.constant 0 : index
    %swap3A_751 = vector.load %arg4[%swap3A_747, %swap3A_748, %swap3A_749, %swap3A_750] : memref<16x2x16x1024xf32, #tpu.memory_space<vmem>>, vector<1x1x16x1024xf32>
    %swap3A_752 = vector.shape_cast %swap3A_751 : vector<1x1x16x1024xf32> to vector<16x1024xf32>
    %swap3A_753 = vector.shape_cast %convert_element_type3A_746 : vector<16x1024xf32> to vector<1x1x16x1024xf32>
    tpu.vector_store %arg4[%swap3A_747, %swap3A_748, %swap3A_749, %swap3A_750], %swap3A_753 {strides = array<i32>} : memref<16x2x16x1024xf32, #tpu.memory_space<vmem>>, vector<1x1x16x1024xf32>,
    %sub3A_754 = arith.constant 1.000000e+00 : f32
    %sub3A_755 = vector.broadcast %sub3A_754 : f32 to vector<16x1024xf32>
    %sub3A_756 = arith.subf %sub3A_755, %convert_element_type3A_746 : vector<16x1024xf32>
    %mul3A_757 = arith.mulf %sub3A_756, %add3A_738 : vector<16x1024xf32>
    %sub3A_758 = arith.subf %add3A_491, %mul3A_757 : vector<16x1024xf32>
    %div3A_759 = arith.constant 2.000000e+00 : f32
    %div3A_760 = vector.broadcast %div3A_759 : f32 to vector<16x1024xf32>
    %div3A_761 = arith.divf %sub3A_758, %div3A_760 : vector<16x1024xf32>
    %add3A_762 = arith.addf %mul3A_757, %div3A_761 : vector<16x1024xf32>
    %sub3A_763 = arith.constant 1.000000e+00 : f32
    %sub3A_764 = vector.broadcast %sub3A_763 : f32 to vector<16x1024xf32>
    %sub3A_765 = arith.subf %add3A_762, %sub3A_764 : vector<16x1024xf32>
    %ge3A_766 = arith.constant 0.000000e+00 : f32
    %ge3A_767 = vector.broadcast %ge3A_766 : f32 to vector<16x1024xf32>
    %ge3A_768 = arith.cmpf oge, %sub3A_765, %ge3A_767 : vector<16x1024xf32>
    %convert_element_type3A_769 = arith.extui %ge3A_768 : vector<16x1024xi1> to vector<16x1024xi32>
    %convert_element_type3A_770 = arith.sitofp %convert_element_type3A_769 : vector<16x1024xi32> to vector<16x1024xf32>
    %swap3A_771 = arith.constant 11 : index
    %swap3A_772 = arith.constant 1 : index
    %swap3A_773 = arith.constant 0 : index
    %swap3A_774 = arith.constant 0 : index
    %swap3A_775 = vector.load %arg4[%swap3A_771, %swap3A_772, %swap3A_773, %swap3A_774] : memref<16x2x16x1024xf32, #tpu.memory_space<vmem>>, vector<1x1x16x1024xf32>
    %swap3A_776 = vector.shape_cast %swap3A_775 : vector<1x1x16x1024xf32> to vector<16x1024xf32>
    %swap3A_777 = vector.shape_cast %convert_element_type3A_770 : vector<16x1024xf32> to vector<1x1x16x1024xf32>
    tpu.vector_store %arg4[%swap3A_771, %swap3A_772, %swap3A_773, %swap3A_774], %swap3A_777 {strides = array<i32>} : memref<16x2x16x1024xf32, #tpu.memory_space<vmem>>, vector<1x1x16x1024xf32>,
    %sub3A_778 = arith.constant 1.000000e+00 : f32
    %sub3A_779 = vector.broadcast %sub3A_778 : f32 to vector<16x1024xf32>
    %sub3A_780 = arith.subf %sub3A_779, %convert_element_type3A_770 : vector<16x1024xf32>
    %mul3A_781 = arith.mulf %sub3A_780, %add3A_762 : vector<16x1024xf32>
    %sub3A_782 = arith.subf %add3A_491, %mul3A_781 : vector<16x1024xf32>
    %div3A_783 = arith.constant 2.000000e+00 : f32
    %div3A_784 = vector.broadcast %div3A_783 : f32 to vector<16x1024xf32>
    %div3A_785 = arith.divf %sub3A_782, %div3A_784 : vector<16x1024xf32>
    %add3A_786 = arith.addf %mul3A_781, %div3A_785 : vector<16x1024xf32>
    %sub3A_787 = arith.constant 1.000000e+00 : f32
    %sub3A_788 = vector.broadcast %sub3A_787 : f32 to vector<16x1024xf32>
    %sub3A_789 = arith.subf %add3A_786, %sub3A_788 : vector<16x1024xf32>
    %ge3A_790 = arith.constant 0.000000e+00 : f32
    %ge3A_791 = vector.broadcast %ge3A_790 : f32 to vector<16x1024xf32>
    %ge3A_792 = arith.cmpf oge, %sub3A_789, %ge3A_791 : vector<16x1024xf32>
    %convert_element_type3A_793 = arith.extui %ge3A_792 : vector<16x1024xi1> to vector<16x1024xi32>
    %convert_element_type3A_794 = arith.sitofp %convert_element_type3A_793 : vector<16x1024xi32> to vector<16x1024xf32>
    %swap3A_795 = arith.constant 12 : index
    %swap3A_796 = arith.constant 1 : index
    %swap3A_797 = arith.constant 0 : index
    %swap3A_798 = arith.constant 0 : index
    %swap3A_799 = vector.load %arg4[%swap3A_795, %swap3A_796, %swap3A_797, %swap3A_798] : memref<16x2x16x1024xf32, #tpu.memory_space<vmem>>, vector<1x1x16x1024xf32>
    %swap3A_800 = vector.shape_cast %swap3A_799 : vector<1x1x16x1024xf32> to vector<16x1024xf32>
    %swap3A_801 = vector.shape_cast %convert_element_type3A_794 : vector<16x1024xf32> to vector<1x1x16x1024xf32>
    tpu.vector_store %arg4[%swap3A_795, %swap3A_796, %swap3A_797, %swap3A_798], %swap3A_801 {strides = array<i32>} : memref<16x2x16x1024xf32, #tpu.memory_space<vmem>>, vector<1x1x16x1024xf32>,
    %sub3A_802 = arith.constant 1.000000e+00 : f32
    %sub3A_803 = vector.broadcast %sub3A_802 : f32 to vector<16x1024xf32>
    %sub3A_804 = arith.subf %sub3A_803, %convert_element_type3A_794 : vector<16x1024xf32>
    %mul3A_805 = arith.mulf %sub3A_804, %add3A_786 : vector<16x1024xf32>
    %sub3A_806 = arith.subf %add3A_491, %mul3A_805 : vector<16x1024xf32>
    %div3A_807 = arith.constant 2.000000e+00 : f32
    %div3A_808 = vector.broadcast %div3A_807 : f32 to vector<16x1024xf32>
    %div3A_809 = arith.divf %sub3A_806, %div3A_808 : vector<16x1024xf32>
    %add3A_810 = arith.addf %mul3A_805, %div3A_809 : vector<16x1024xf32>
    %sub3A_811 = arith.constant 1.000000e+00 : f32
    %sub3A_812 = vector.broadcast %sub3A_811 : f32 to vector<16x1024xf32>
    %sub3A_813 = arith.subf %add3A_810, %sub3A_812 : vector<16x1024xf32>
    %ge3A_814 = arith.constant 0.000000e+00 : f32
    %ge3A_815 = vector.broadcast %ge3A_814 : f32 to vector<16x1024xf32>
    %ge3A_816 = arith.cmpf oge, %sub3A_813, %ge3A_815 : vector<16x1024xf32>
    %convert_element_type3A_817 = arith.extui %ge3A_816 : vector<16x1024xi1> to vector<16x1024xi32>
    %convert_element_type3A_818 = arith.sitofp %convert_element_type3A_817 : vector<16x1024xi32> to vector<16x1024xf32>
    %swap3A_819 = arith.constant 13 : index
    %swap3A_820 = arith.constant 1 : index
    %swap3A_821 = arith.constant 0 : index
    %swap3A_822 = arith.constant 0 : index
    %swap3A_823 = vector.load %arg4[%swap3A_819, %swap3A_820, %swap3A_821, %swap3A_822] : memref<16x2x16x1024xf32, #tpu.memory_space<vmem>>, vector<1x1x16x1024xf32>
    %swap3A_824 = vector.shape_cast %swap3A_823 : vector<1x1x16x1024xf32> to vector<16x1024xf32>
    %swap3A_825 = vector.shape_cast %convert_element_type3A_818 : vector<16x1024xf32> to vector<1x1x16x1024xf32>
    tpu.vector_store %arg4[%swap3A_819, %swap3A_820, %swap3A_821, %swap3A_822], %swap3A_825 {strides = array<i32>} : memref<16x2x16x1024xf32, #tpu.memory_space<vmem>>, vector<1x1x16x1024xf32>,
    %sub3A_826 = arith.constant 1.000000e+00 : f32
    %sub3A_827 = vector.broadcast %sub3A_826 : f32 to vector<16x1024xf32>
    %sub3A_828 = arith.subf %sub3A_827, %convert_element_type3A_818 : vector<16x1024xf32>
    %mul3A_829 = arith.mulf %sub3A_828, %add3A_810 : vector<16x1024xf32>
    %sub3A_830 = arith.subf %add3A_491, %mul3A_829 : vector<16x1024xf32>
    %div3A_831 = arith.constant 2.000000e+00 : f32
    %div3A_832 = vector.broadcast %div3A_831 : f32 to vector<16x1024xf32>
    %div3A_833 = arith.divf %sub3A_830, %div3A_832 : vector<16x1024xf32>
    %add3A_834 = arith.addf %mul3A_829, %div3A_833 : vector<16x1024xf32>
    %sub3A_835 = arith.constant 1.000000e+00 : f32
    %sub3A_836 = vector.broadcast %sub3A_835 : f32 to vector<16x1024xf32>
    %sub3A_837 = arith.subf %add3A_834, %sub3A_836 : vector<16x1024xf32>
    %ge3A_838 = arith.constant 0.000000e+00 : f32
    %ge3A_839 = vector.broadcast %ge3A_838 : f32 to vector<16x1024xf32>
    %ge3A_840 = arith.cmpf oge, %sub3A_837, %ge3A_839 : vector<16x1024xf32>
    %convert_element_type3A_841 = arith.extui %ge3A_840 : vector<16x1024xi1> to vector<16x1024xi32>
    %convert_element_type3A_842 = arith.sitofp %convert_element_type3A_841 : vector<16x1024xi32> to vector<16x1024xf32>
    %swap3A_843 = arith.constant 14 : index
    %swap3A_844 = arith.constant 1 : index
    %swap3A_845 = arith.constant 0 : index
    %swap3A_846 = arith.constant 0 : index
    %swap3A_847 = vector.load %arg4[%swap3A_843, %swap3A_844, %swap3A_845, %swap3A_846] : memref<16x2x16x1024xf32, #tpu.memory_space<vmem>>, vector<1x1x16x1024xf32>
    %swap3A_848 = vector.shape_cast %swap3A_847 : vector<1x1x16x1024xf32> to vector<16x1024xf32>
    %swap3A_849 = vector.shape_cast %convert_element_type3A_842 : vector<16x1024xf32> to vector<1x1x16x1024xf32>
    tpu.vector_store %arg4[%swap3A_843, %swap3A_844, %swap3A_845, %swap3A_846], %swap3A_849 {strides = array<i32>} : memref<16x2x16x1024xf32, #tpu.memory_space<vmem>>, vector<1x1x16x1024xf32>,
    %sub3A_850 = arith.constant 1.000000e+00 : f32
    %sub3A_851 = vector.broadcast %sub3A_850 : f32 to vector<16x1024xf32>
    %sub3A_852 = arith.subf %sub3A_851, %convert_element_type3A_842 : vector<16x1024xf32>
    %mul3A_853 = arith.mulf %sub3A_852, %add3A_834 : vector<16x1024xf32>
    %sub3A_854 = arith.subf %add3A_491, %mul3A_853 : vector<16x1024xf32>
    %div3A_855 = arith.constant 2.000000e+00 : f32
    %div3A_856 = vector.broadcast %div3A_855 : f32 to vector<16x1024xf32>
    %div3A_857 = arith.divf %sub3A_854, %div3A_856 : vector<16x1024xf32>
    %add3A_858 = arith.addf %mul3A_853, %div3A_857 : vector<16x1024xf32>
    %sub3A_859 = arith.constant 1.000000e+00 : f32
    %sub3A_860 = vector.broadcast %sub3A_859 : f32 to vector<16x1024xf32>
    %sub3A_861 = arith.subf %add3A_858, %sub3A_860 : vector<16x1024xf32>
    %ge3A_862 = arith.constant 0.000000e+00 : f32
    %ge3A_863 = vector.broadcast %ge3A_862 : f32 to vector<16x1024xf32>
    %ge3A_864 = arith.cmpf oge, %sub3A_861, %ge3A_863 : vector<16x1024xf32>
    %convert_element_type3A_865 = arith.extui %ge3A_864 : vector<16x1024xi1> to vector<16x1024xi32>
    %convert_element_type3A_866 = arith.sitofp %convert_element_type3A_865 : vector<16x1024xi32> to vector<16x1024xf32>
    %swap3A_867 = arith.constant 15 : index
    %swap3A_868 = arith.constant 1 : index
    %swap3A_869 = arith.constant 0 : index
    %swap3A_870 = arith.constant 0 : index
    %swap3A_871 = vector.load %arg4[%swap3A_867, %swap3A_868, %swap3A_869, %swap3A_870] : memref<16x2x16x1024xf32, #tpu.memory_space<vmem>>, vector<1x1x16x1024xf32>
    %swap3A_872 = vector.shape_cast %swap3A_871 : vector<1x1x16x1024xf32> to vector<16x1024xf32>
    %swap3A_873 = vector.shape_cast %convert_element_type3A_866 : vector<16x1024xf32> to vector<1x1x16x1024xf32>
    tpu.vector_store %arg4[%swap3A_867, %swap3A_868, %swap3A_869, %swap3A_870], %swap3A_873 {strides = array<i32>} : memref<16x2x16x1024xf32, #tpu.memory_space<vmem>>, vector<1x1x16x1024xf32>,
    return
  }
  func.func @transform_0(%arg0: i32) -> (i32, i32, i32) {
    %c0_i32 = arith.constant 0 : i32
    %c0_i32_0 = arith.constant 0 : i32
    %c0_i32_1 = arith.constant 0 : i32
    return %arg0, %c0_i32, %c0_i32_0 : i32, i32, i32
  }
  func.func @transform_1(%arg0: i32) -> (i32, i32) {
    %c0_i32 = arith.constant 0 : i32
    %c0_i32_0 = arith.constant 0 : i32
    %c0_i32_1 = arith.constant 0 : i32
    return %c0_i32, %c0_i32_0 : i32, i32
  }
  func.func @transform_2(%arg0: i32) -> (i32, i32) {
    %c0_i32 = arith.constant 0 : i32
    %c0_i32_0 = arith.constant 0 : i32
    %c0_i32_1 = arith.constant 0 : i32
    return %c0_i32, %c0_i32_0 : i32, i32
  }
  func.func @transform_3(%arg0: i32) -> (i32, i32, i32, i32) {
    %c0_i32 = arith.constant 0 : i32
    %c0_i32_0 = arith.constant 0 : i32
    %c0_i32_1 = arith.constant 0 : i32
    %c0_i32_2 = arith.constant 0 : i32
    return %c0_i32, %arg0, %c0_i32_0, %c0_i32_1 : i32, i32, i32, i32
  }
}

</mosaic_0001>

<sc_bundles>
// kernel: kernel.5.cloned.1.call-start
scs
__scs_entry_jumppad:
0x0: {  	(pc) =	sbr.rel $0x88, $3  }
0x1: {  	(tag) =	ssettag $0x0;
	lr =	simm.s32 $0x1  }
0x2: {  	[smem:$0x3F98] =	sst lr;
	_ =	strace $0xD0000000  }
0x3: {  	_ = 	snop  }
0x4: {  	_ = 	snop  }
0x5: {  	_ = 	snop  }
0x6: {  	_ = 	snop  }
0x7: {  	_ = 	snop  }
__scs_overlays_trampoline_lowered:
0x8: {  	[smem:$0x3FA7] =	sst s0  }
0x9: {  	[smem:$0x3FA8] =	sst s1  }
0xa: {  	[smem:$0x3FA9] =	sst s2  }
0xb: {  	[smem:$0x3FAA] =	sst s3  }
0xc: {  	[smem:$0x3FAB] =	sst s4  }
0xd: {  	[smem:$0x3FAC] =	sst s5  }
0xe: {  	[smem:$0x3FAD] =	sst s6  }
0xf: {  	[smem:$0x3FAE] =	sst s7  }
0x10: {  	[smem:$0x3FAF] =	sst s8  }
0x11: {  	[smem:$0x3FB0] =	sst s9;
	s0 =	simm.s32 @!p0 $0x0  }
0x12: {  	s1 =	sld [smem:$0x3F96];
	s0 =	simm.s32 @p0 $0x1  }
0x13: {  	[smem:$0x3FB1] =	sst s0;
	s0 =	simm.s32 @!p1 $0x0  }
0x14: {  	s2 =	sld [smem:$0x3F95];
	s0 =	simm.s32 @p1 $0x1  }
0x15: {  	[smem:$0x3FB2] =	sst s0;
	s0 =	simm.s32 @!p2 $0x0  }
0x16: {  	s3 =	sld [smem:$0x3FDB];
	s0 =	simm.s32 @p2 $0x1  }
0x17: {  	s4 =	simm.s32 $0x1BF5;
	[smem:$0x3FB4] =	sst s0  }
0x18: {  	s0 =	sld [smem:$0x3F97];
	_ =	swait.ge [sflag:s4], $0x0  }
0x19: {  	s7 =	sld [smem:$0x3F98]  }
0x1a: {  	s8 =	sadd.s32 $0xFFFFE003, lr  }
0x1b: {  	s9 =	sadd.s32 $0xFFFFFEF7, lr;
	s5 =	simm.s32 $0xFFFFFFFF;
	p2 =	slt.u32 s8, $0xFFFFF086  }
0x1c: {  	p1 =	slt.u32 s9, $0xF7A;
	s5 =	simm.s32 @!p2 $0x0  }
0x1d: {  	s5 =	simm.s32 @p1 $0x1;
	p0 =	seq.s32 s7, s2  }
0x1e: {  	s7 =	smul.u32 @!p0 $0xF7A, s2;
	p2 =	seq.s32 @!p0 s5, $0x0  }
0x1f: {  	s9 =	smul.u32 $0xF7A, s1;
	s8 =	simm.s32 @!p0 $0x1BF5;
	p2 =	por !p2, p0  }
0x20: {  	[sflag:s8] =	ssyncset.s32 @!p0 $0xFFFFF086;
	s6 =	sadd.s32 @!p0 s3, s7;
	s7 =	simm.s32 @!p0 $0x108  }
0x21: {  	s3 =	sadd.s32 s3, s9;
	s6 =	sadd.s32 @!p0 $0x88, s6;
	s7 =	simm.s32 @p2 $0x1082  }
0x22: {  	[simem:s7], [sflag:s8] =	dma.local @!p0 [hbm:s6], $0xF7A  }
0x23: {  	s9 =	sor.u32 $0xD0000000, s2;
	s6 =	simm.s32 $0x108;
	_ =	swait.ge @!p0 [sflag:s8], $0x0  }
0x24: {  	s3 =	sadd.s32 $0x88, s3;
	s6 =	simm.s32 @!p1 $0x1082;
	[sflag:s4] =	ssyncset.s32 $0xFFFFF086  }
0x25: {  	[simem:s6], [sflag:s4] =	dma.local [hbm:s3], $0xF7A  }
0x26: {  	[smem:$0x3F98] =	sst s1;
	(tag) =	ssettag s2;
	_ =	strace s9  }
0x27: {  	s1 =	sld [smem:$0x3FA8]  }
0x28: {  	s2 =	sld [smem:$0x3FA9]  }
0x29: {  	s4 =	sld [smem:$0x3FAB]  }
0x2a: {  	p0 =	seq.s32 s5, $0x0;
	s5 =	sld [smem:$0x3FAC]  }
0x2b: {  	s6 =	sld [smem:$0x3FAD]  }
0x2c: {  	s7 =	sld [smem:$0x3FAE]  }
0x2d: {  	s3 =	simm.s32 $0x108;
	s8 =	sld [smem:$0x3FAF]  }
0x2e: {  	s3 =	simm.s32 @!p0 $0x1082;
	s9 =	sld [smem:$0x3FB0]  }
0x2f: {  	lr =	sadd.s32 s0, s3;
	s0 =	sld [smem:$0x3FA7]  }
0x30: {  	s3 =	sld [smem:$0x3FAA]  }
0x31: {  	[smem:$0x3FB3] =	sst s10  }
0x32: {  	s10 =	sld [smem:$0x3FB1];
	_ =	sdelay $0x3  }
0x33: {  	p0 =	seq.s32 s10, $0x1;
	s10 =	sld [smem:$0x3FB3];
	_ =	sdelay $0x3  }
0x34: {  	[smem:$0x3FB3] =	sst s10  }
0x35: {  	s10 =	sld [smem:$0x3FB2];
	_ =	sdelay $0x3  }
0x36: {  	p1 =	seq.s32 s10, $0x1;
	s10 =	sld [smem:$0x3FB3];
	_ =	sdelay $0x3  }
0x37: {  	[smem:$0x3FB3] =	sst s10  }
0x38: {  	s10 =	sld [smem:$0x3FB4]  }
0x39: {  	_ = 	snop;
	(pc) =	sbr.ind lr, $3  }
0x3a: {  	_ = 	snop  }
0x3b: {  	_ = 	snop  }
0x3c: {  	p2 =	seq.s32 s10, $0x1;
	s10 =	sld [smem:$0x3FB3]  }
0x3d: {  	_ =	shalt  }
0x3e: {  	_ =	shalt  }
0x3f: {  	_ =	shalt  }
0x40: {  	_ =	shalt  }
0x41: {  	_ =	shalt  }
0x42: {  	_ =	shalt  }
0x43: {  	_ =	shalt  }
0x44: {  	_ =	shalt  }
0x45: {  	_ =	shalt  }
0x46: {  	_ =	shalt  }
0x47: {  	_ =	shalt  }
0x48: {  	_ =	shalt  }
0x49: {  	_ =	shalt  }
0x4a: {  	_ =	shalt  }
0x4b: {  	_ =	shalt  }
0x4c: {  	_ =	shalt  }
0x4d: {  	_ =	shalt  }
0x4e: {  	_ =	shalt  }
0x4f: {  	_ =	shalt  }
0x50: {  	_ =	shalt  }
0x51: {  	_ =	shalt  }
0x52: {  	_ =	shalt  }
0x53: {  	_ =	shalt  }
0x54: {  	_ =	shalt  }
0x55: {  	_ =	shalt  }
0x56: {  	_ =	shalt  }
0x57: {  	_ =	shalt  }
0x58: {  	_ =	shalt  }
0x59: {  	_ =	shalt  }
0x5a: {  	_ =	shalt  }
0x5b: {  	_ =	shalt  }
0x5c: {  	_ =	shalt  }
0x5d: {  	_ =	shalt  }
0x5e: {  	_ =	shalt  }
0x5f: {  	_ =	shalt  }
0x60: {  	_ =	shalt  }
0x61: {  	_ =	shalt  }
0x62: {  	_ =	shalt  }
0x63: {  	_ =	shalt  }
0x64: {  	_ =	shalt  }
0x65: {  	_ =	shalt  }
0x66: {  	_ =	shalt  }
0x67: {  	_ =	shalt  }
0x68: {  	_ =	shalt  }
0x69: {  	_ =	shalt  }
0x6a: {  	_ =	shalt  }
0x6b: {  	_ =	shalt  }
0x6c: {  	_ =	shalt  }
0x6d: {  	_ =	shalt  }
0x6e: {  	_ =	shalt  }
0x6f: {  	_ =	shalt  }
0x70: {  	_ =	shalt  }
0x71: {  	_ =	shalt  }
0x72: {  	_ =	shalt  }
0x73: {  	_ =	shalt  }
0x74: {  	_ =	shalt  }
0x75: {  	_ =	shalt  }
0x76: {  	_ =	shalt  }
0x77: {  	_ =	shalt  }
0x78: {  	_ =	shalt  }
0x79: {  	_ =	shalt  }
0x7a: {  	_ =	shalt  }
0x7b: {  	_ =	shalt  }
0x7c: {  	_ =	shalt  }
0x7d: {  	_ =	shalt  }
0x7e: {  	_ =	shalt  }
0x7f: {  	_ =	shalt  }
0x80: {  	_ =	shalt  }
0x81: {  	_ =	shalt  }
0x82: {  	_ =	shalt  }
0x83: {  	_ =	shalt  }
0x84: {  	_ =	shalt  }
0x85: {  	_ =	shalt  }
0x86: {  	_ =	shalt  }
0x87: {  	_ =	shalt  }
.Lfunc_end0:
.L_simem_size_0:
called_computation_lowered:
.L_overlay_start_0:
0x88: {  	s2 =	sld [smem:$0x3FD9]  }
0x89: {  	s3 =	sld [smem:$0x3FFE];
	_ =	sdelay $0x1  }
0x8a: {  	s1 =	srdreg.scid  }
0x8b: {  	s0 =	sand.u32 $0x1, s1  }
0x8c: {  	s14 =	sshll.u32 s0, $0xA;
	s2 =	sadd.s32 s3, s2  }
0x8d: {  	s2 =	sadd.s32 s2, s14  }
0x8e: {  	[smem:$0x3FBF] =	sst s2  }
0x8f: {  	_ = 	snop  }
0x90: {  	s2 =	sld [smem:$0x3FD0];
	_ =	sdelay $0x2  }
0x91: {  	s15 =	simm.s32 $0xA;
	s4 =	simm.s32 $0x10  }
0x92: {  	[smem:s4], [sflag:s15] =	dma.local [hbm:s2], $0x1  }
0x93: {  	_ =	swait.eq [sflag:s15], $0x1  }
0x94: {  	[sflag:s15] =	ssyncset.done $0x0  }
0x95: {  	s16 =	sld [smem:$0x10];
	[sflag:s15] =	ssyncadd.s32 $0xFFFFFFFF  }
0x96: {  	s17 =	sld [smem:$0x11];
	(tm) =	ssettm $0x1  }
0x97: {  	s18 =	sld [smem:$0x3FFB];
	_ =	sdelay $0x3  }
0x98: {  	_ =	strace s18  }
0x99: {  	s4 =	sld [smem:$0x3FFC];
	_ =	sdelay $0x3  }
0x9a: {  	_ =	strace s4  }
0x9b: {  	s4 =	sld [smem:$0x3FFD];
	_ =	sdelay $0x3  }
0x9c: {  	_ =	strace s4  }
0x9d: {  	_ =	strace $0x8FFFFFFF  }
0x9e: {  	s19 =	sld [smem:$0x3FDB];
	_ =	sdelay $0x1  }
0x9f: {  	s5 =	simm.s32 $_scs_section_size  }
0xa0: {  	s6 =	simm.s32 $_size__tile_overlayer_lowered;
	s7 =	simm.s32 $_tile_overlayer_lowered  }
0xa1: {  	s22 =	simm.s32 $0x1BFF;
	s21 =	sshll.u32 s7, $0x1;
	s4 =	sadd.s32 s5, s19  }
0xa2: {  	s8 =	simm.s32 $0x0;
	s20 =	sshll.u32 s6, $0x1;
	s6 =	sadd.s32 s21, s4  }
0xa3: {  	[timem:s8], [sflag:s22] =	dma.local [hbm:s6], s20  }
0xa4: {  	_ =	swait.ge [sflag:s22], s20  }
0xa5: {  	s5 =	ssub.s32 $0x0, s20;
	[sflag:s22] =	ssyncset.done $0x0  }
0xa6: {  	[sflag:s22] =	ssyncadd.s32 s5;
	_ =	sdelay $0x1  }
0xa7: {  	s23 =	simm.s32 $0x1B8B  }
0xa8: {  	_ =	swait.ge [sflag:s23], $0x1  }
0xa9: {  	[sflag:s23] =	ssyncset.done $0x0  }
0xaa: {  	s25 =	simm.s32 $0x1B8E;
	s24 =	sld [smem:$0x3FFE];
	[sflag:s23] =	ssyncadd.s32 $0xFFFFFFFF  }
0xab: {  	s26 =	simm.s32 $execute0_lowered;
	[smem:$0x3FD2] =	sst s25  }
0xac: {  	s6 =	sshll.u32 s26, $0x1;
	_ =	strace $0x80000046;
	[dreg:$0x1] =	wrdreg $0xFFFFFFFF  }
0xad: {  	s28 =	simm.s32 $_size_execute0_lowered;
	s4 =	sadd.s32 s4, s6;
	[dreg:$0x0] =	wrdreg $0x0  }
0xae: {  	s6 =	sshll.u32 s28, $0x1;
	[dreg:$0x2] =	wrdreg s4  }
0xaf: {  	[dreg:$0x3] =	wrdreg s6  }
0xb0: {  	[dreg:$0x4] =	wrdreg $0xC0  }
0xb1: {  	_ =	task [dreg:s8], $0x5FFFF  }
0xb2: {  	[dreg:$0x1] =	wrdreg $0xFFFFFFFF  }
0xb3: {  	[dreg:$0x0] =	wrdreg $0x60  }
0xb4: {  	[dreg:$0x2] =	wrdreg s16  }
0xb5: {  	[dreg:$0x3] =	wrdreg s17  }
0xb6: {  	[dreg:$0x4] =	wrdreg s24  }
0xb7: {  	[dreg:$0x5] =	wrdreg $0x9  }
0xb8: {  	_ =	task.clear_ibuf [dreg:s8], $0x6FFFF;
	_ =	strace $0x90000046  }
0xb9: {  	s29 =	simm.s32 $0x9;
	_ =	strace $0x80000048  }
0xba: {  	_ =	swait.ge [sflag:s29], $0x1  }
0xbb: {  	[sflag:s29] =	ssyncadd.s32 $0xFFFFFFFF  }
0xbc: {  	_ =	strace $0x90000048  }
0xbd: {  	_ =	sfence  }
0xbe: {  	s30 =	sld [smem:$0x0];
	_ =	sdelay $0x2  }
0xbf: {  	s31 =	sshll.u32 s1, $0xD;
	s1 =	sshrl.u32 s1, $0x2  }
0xc0: {  	s3 =	sand.u32 $0x4000, s31;
	s1 =	sadd.s32 s1, s30  }
0xc1: {  	s0 =	sor.u32 s3, s0;
	s1 =	sshll.u32 s1, $0x11  }
0xc2: {  	s0 =	sor.u32 s1, s0  }
0xc3: {  	s0 =	sadd.s32 $0x8F2B, s0  }
0xc4: {  	[sflag:s0] =	ssyncadd.remote.s32 $0x1  }
0xc5: {  	_ =	sfence.sel $0xFFFF  }
0xc6: {  	[dreg:$0x0] =	wrdreg $0xFFFFFFFF;
	(pc) =	sbr.abs _section_cstart, $3  }
0xc7: {  	[dreg:$0x1] =	wrdreg $0xFFFFFFFF  }
0xc8: {  	_ =	task.clear_ibuf [dreg:s8], $0x2FFFF;
	_ =	strace $0x9FFFFFFF  }
0xc9: {  	(tm) =	ssettm $0x7FFFFFFF  }
tec
execute0_lowered:
.L_overlay_start_1:
0x0: {  	(tag) =	ssettag $0x1  }
0x1: {  	s1 =	rddreg [dreg:$0x0]  }
0x2: {  	s2 =	srdreg.scid;
	s4 =	rddreg [dreg:$0x1]  }
0x3: {  	s0 =	stileid.u32;
	s8 =	rddreg [dreg:$0x2];
	s6 =	sand.u32 $0x1, s2  }
0x4: {  	s3 =	simm.s32 $0x0;
	s5 =	sshll.u32 s0, $0x9;
	s7 =	sshll.u32 s6, $0x8  }
0x5: {  	[smem:$0x7FF] =	sst s3;
	s9 =	sor.u32 s7, s5  }
0x6: {  	s2 =	rddreg [dreg:$0x3];
	_ =	strace $0x80000047;
	s5 =	sshrl.u32 s9, $0x3  }
0x7: {  	s10 =	ssub.s32 $0x2, s6;
	s5 =	sadd.s32 s4, s5;
	s4 =	simm.s32 $0x2  }
0x8: {  	[tilespmem:s3], [sflag:$0x2] =	stream.linear.gather [hbm4b:s5+s3], $0x100, $0x38;
	[tilespmem:$0x8100] =	vst v63  }
0x9: {  	s11 =	sshrl.u32 s10, $0x1;
	_ =	swait.ge [sflag:s4], $0x100  }
0xa: {  	s6 =	simm.s32 $0x100;
	s10 =	ssub.s32 s10, s11;
	[sflag:s4] =	ssyncset.done $0x0  }
0xb: {  	s7 =	simm.s32 $0x1;
	s31 =	smax.u32 s10, $0x1;
	[sflag:s4] =	ssyncadd.s32 $0xFFFFFF00  }
0xc: {  	[tilespmem:s6], [sflag:$0x1] =	stream.indirect.gather [hbm4b:s1+s6], $0x80, s3, s6, $0xb8;
	[tilespmem:$0x8100] =	vst v63  }
0xd: {  	p0 =	sne.s32 s31, $0x1;
	_ =	swait.ge [sflag:s7], $0x8000  }
.Ltmp0:
0xe: {  	s9 =	sshll.u32 s9, $0x4;
	[sflag:s7] =	ssyncset.done $0x0;
	(pc) =	sbr.rel @!p0 .LBB2_2-.Ltmp0, $4  }
0xf: {  	s8 =	sadd.s32 s8, s9;
	[sflag:s7] =	ssyncadd.s32 $0xFFFF8000  }
0x10: {  	[hbm4b:s8+s3] =	stream.linear.scatter [tilespmem:s6], [sflag:$0x2], $0x8000, $0x38;
	[tilespmem:$0x8100] =	vst v63  }
0x11: {  	_ =	swait.ge [sflag:s4], $0x8000  }
0x12: {  	s9 =	sadd.s32 $0xFFFFFFFF, s31;
	[sflag:s4] =	ssyncset.done $0x0  }
.LBB2_1:
0x13: {  	p0 =	sne.s32 s9, $0x1;
	s9 =	sadd.s32 $0xFFFFFFFF, s9;
	[sflag:s4] =	ssyncadd.s32 $0xFFFF8000  }
0x14: {  	[tilespmem:s3], [sflag:$0x2] =	stream.linear.gather [hbm4b:s5+s3], $0x100, $0x38;
	[tilespmem:$0x8100] =	vst v63  }
0x15: {  	_ =	swait.ge [sflag:s4], $0x100  }
0x16: {  	[sflag:s4] =	ssyncset.done $0x0  }
0x17: {  	[sflag:s4] =	ssyncadd.s32 $0xFFFFFF00  }
0x18: {  	[tilespmem:s6], [sflag:$0x1] =	stream.indirect.gather [hbm4b:s1+s6], $0x80, s3, s6, $0xb8;
	[tilespmem:$0x8100] =	vst v63  }
0x19: {  	_ =	swait.ge [sflag:s7], $0x8000  }
.Ltmp1:
0x1a: {  	[sflag:s7] =	ssyncset.done $0x0;
	(pc) =	sbr.rel @p0 .LBB2_1-.Ltmp1, $4  }
0x1b: {  	[sflag:s7] =	ssyncadd.s32 $0xFFFF8000  }
0x1c: {  	[hbm4b:s8+s3] =	stream.linear.scatter [tilespmem:s6], [sflag:$0x2], $0x8000, $0x38;
	[tilespmem:$0x8100] =	vst v63  }
0x1d: {  	_ =	swait.ge [sflag:s4], $0x8000  }
0x1e: {  	[sflag:s4] =	ssyncset.done $0x0  }
.LBB2_2:
0x1f: {  	[sflag:s4] =	ssyncadd.s32 $0xFFFF8000  }
0x20: {  	_ =	sfence.sel $0x180000  }
0x21: {  	[bflag:$0x0] =	sbarrier.arrive $0xFFFF  }
0x22: {  	p0 =	sne.s32 s0, $0x0;
	_ =	strace $0x90000047  }
0x23: {  	s0 =	sadd.s32 @!p0 $0x100000, s2;
	[bflag:$0x2] =	sbarrier.arrive $0xFFFF  }
0x24: {  	[sflag:s0] =	ssyncadd.tile.s32 @!p0 $0x1;
	_ =	shalt  }
.Lfunc_end2:
_tile_overlayer_lowered:
.L_overlay_start_2:
0x25: {  	(tag) =	ssettag $0x2  }
0x26: {  	s0 =	rddreg [dreg:$0x0];
	s2 =	stileid.u32  }
0x27: {  	s1 =	rddreg [dreg:$0x1];
	p0 =	sne.s32 s2, $0x0  }
0x28: {  	s3 =	rddreg [dreg:$0x2];
	[bflag:$0x3] =	sbarrier.arrive $0xFFFF;
	s2 =	simm.s32 @!p0 $0x1C02  }
0x29: {  	[timem:s3], [sflag:s2] =	dma.local @!p0 [hbm:s0], s1  }
0x2a: {  	s0 =	simm.s32 @!p0 $0x2  }
0x2b: {  	_ =	swait.ge @!p0 [sflag:s0], s1  }
0x2c: {  	s1 =	ssub.s32 @!p0 $0x0, s1;
	[sflag:s0] =	ssyncset.done @!p0 $0x0  }
0x2d: {  	[sflag:s0] =	ssyncadd.s32 @!p0 s1  }
0x2e: {  	[bflag:$0x3] =	sbarrier.arrive $0xFFFF  }
0x2f: {  	_ =	shalt  }

</sc_bundles>
